<compile_context>
chip_gen: v7x
topology: tpu7x:2x2x1
jax: 0.10.2.dev20260603
libtpu: 0.0.44.dev20260713+nightly
codegen_flags: <defaults>
</compile_context>

<pallas_src>
import jax
import jax.numpy as jnp
from jax import lax
from jax.experimental import pallas as pl
from jax.experimental.pallas import tpu as pltpu
from jax.experimental.pallas import tpu_sc as plsc

_T = 26
_V = 100000
_D = 64
_B = 4096
_NC = 2
_NS = 16
_NW = _NC * _NS
_VB = (_V + 127) // 128
_VP2 = _VB * 64



_W = 5888
_NSTEP = (_VB * 128) // _W


def _ta_body(tabT_ref, out_ref):
    p = lax.broadcasted_iota(jnp.int32, (128, 128), 0)
    c = lax.broadcasted_iota(jnp.int32, (128, 128), 1)
    tgt = jnp.where(p < _D, 2 * p, 2 * (p - _D) + 1)
    perm = (c == tgt).astype(jnp.float32)
    for j in range(0, _W // 128, 2):
        blk2 = jnp.concatenate(
            [tabT_ref[0, :, j * 128:(j + 1) * 128],
             tabT_ref[0, :, (j + 1) * 128:(j + 2) * 128]], axis=0)
        hi = blk2.astype(jnp.bfloat16)
        lo = (blk2 - hi.astype(jnp.float32)).astype(jnp.bfloat16)
        pb = perm.astype(jnp.bfloat16)
        dn = (((1,), (1,)), ((), ()))
        oc = lax.dot_general(
            pb, hi, dimension_numbers=dn,
            preferred_element_type=jnp.float32) + lax.dot_general(
            pb, lo, dimension_numbers=dn,
            preferred_element_type=jnp.float32)
        out_ref[0, j * 64:(j + 1) * 64, 0:_D] = oc[0:_D, 0:_D]
        out_ref[0, j * 64:(j + 1) * 64, _D:2 * _D] = oc[_D:128, 0:_D]
        out_ref[0, (j + 1) * 64:(j + 2) * 64, 0:_D] = oc[0:_D, _D:128]
        out_ref[0, (j + 1) * 64:(j + 2) * 64, _D:2 * _D] = oc[_D:128,
                                                             _D:128]


_ta = pl.pallas_call(
    _ta_body,
    grid=(_T, _NSTEP),
    in_specs=[pl.BlockSpec((1, _D, _W), lambda t, c: (t, 0, c))],
    out_specs=pl.BlockSpec((1, _W // 2, 128), lambda t, c: (t, c, 0)),
    out_shape=jax.ShapeDtypeStruct((_T, _VP2, 2 * _D), jnp.float32),
)


_CHUNK = _B // _NW
_K = 4
_G = 3


def _gbody(idx_hbm, pairs_hbm, out_hbm, idx_v, pidx_v, rows_v, gsem, wsem):
    wid = lax.axis_index("s") * _NC + lax.axis_index("c")
    b0 = wid * _CHUNK
    pltpu.sync_copy(idx_hbm.at[:, pl.ds(b0, _CHUNK)], idx_v)

    def prep(t):
        def pr(i, _):
            v = idx_v[t, pl.ds(i * 16, 16)]
            pidx_v[t & (_K - 1), pl.ds(i * 16, 16)] = (
                lax.shift_right_logical(v, 1))
            return 0

        lax.fori_loop(0, _CHUNK // 16, pr, 0)
        pltpu.async_copy(
            pairs_hbm.at[t].at[pidx_v.at[t & (_K - 1)]],
            rows_v.at[t & (_K - 1)], gsem)

    for t in range(_G):
        prep(t)

    def ch(t, _):
        s = t & (_K - 1)
        pltpu.make_async_copy(
            pairs_hbm.at[0].at[pidx_v.at[s]], rows_v.at[s], gsem).wait()
        pltpu.async_copy(
            rows_v.at[s], out_hbm.at[t, pl.ds(b0, _CHUNK), :], wsem)

        @pl.when(t + _G < _T)
        def _():
            @pl.when(t >= 1)
            def _():
                pltpu.make_async_copy(
                    rows_v.at[(t - 1) & (_K - 1)],
                    out_hbm.at[0, pl.ds(0, _CHUNK), :], wsem).wait()

            prep(t + _G)

        return 0

    lax.fori_loop(0, _T, ch, 0)

    def dr(t, _):
        pltpu.make_async_copy(
            rows_v.at[t & (_K - 1)],
            out_hbm.at[0, pl.ds(0, _CHUNK), :], wsem).wait()
        return 0

    lax.fori_loop(_T - _K, _T, dr, 0)


_mesh = plsc.VectorSubcoreMesh(core_axis_name="c", subcore_axis_name="s")

_gather = pl.kernel(
    _gbody,
    out_type=jax.ShapeDtypeStruct((_T, _B, 2 * _D), jnp.float32),
    mesh=_mesh,
    scratch_types=[
        pltpu.VMEM((_T, _CHUNK), jnp.int32),
        pltpu.VMEM((_K, _CHUNK), jnp.int32),
        pltpu.VMEM((_K, _CHUNK, 2 * _D), jnp.float32),
        pltpu.SemaphoreType.DMA,
        pltpu.SemaphoreType.DMA,
    ],
    compiler_params=pltpu.CompilerParams(
        use_tc_tiling_on_sc=True, needs_layout_passes=False),
)



_CB = 512


def _tc_body(g_ref, idx_ref, out_ref):
    gb = g_ref[0]
    h = idx_ref[0, 0] & 1
    sel = jnp.where(h[:, None] == 1, gb[:, _D:], gb[:, :_D])
    out_ref[0] = jnp.transpose(sel)


_tc = pl.pallas_call(
    _tc_body,
    grid=(_T, _B // _CB),
    in_specs=[
        pl.BlockSpec((1, _CB, 2 * _D), lambda t, c: (t, c, 0)),
        pl.BlockSpec((1, 1, _CB), lambda t, c: (t * (_B // _CB) + c, 0, 0)),
    ],
    out_specs=pl.BlockSpec((1, _D, _CB), lambda t, c: (t, 0, c)),
    out_shape=jax.ShapeDtypeStruct((_T, _D, _B), jnp.float32),
)


@jax.jit
def kernel(inputs, tables):
    tabT = jnp.transpose(tables, (0, 2, 1))
    idx = jnp.transpose(inputs).astype(jnp.int32)
    pairs = _ta(tabT)
    g = _gather(idx, pairs)
    out = _tc(g, idx.reshape(_T * (_B // _CB), 1, _CB))
    return out.transpose(2, 0, 1)

# --- scband reference (transcript-rebuilt; emitter-appended) ---
"""Pipeline reference for scband-tfembedding-29162827939989 (READ-ONLY COPY).

The authoritative reference and input builder live on the scoring server;
editing this copy changes nothing except your own understanding.
"""

import jax, jax.numpy as jnp
import numpy as np

NUM_TABLES = 26
VOCAB = 100000
EMB = 64
BATCH = 4096

def setup_inputs(seed: int = 0) -> dict:
    key = jax.random.key(seed)
    k_idx, k_tab = jax.random.split(key)
    inputs = jax.random.randint(k_idx, (BATCH, NUM_TABLES), 0, VOCAB, dtype=jnp.int64 if jax.config.jax_enable_x64 else jnp.int32)
    # 26 embedding tables, all with vocab 100000, dim 64; stacked into one array
    tables = jax.random.normal(k_tab, (NUM_TABLES, VOCAB, EMB), dtype=jnp.float32) * 0.05
    return {"inputs": inputs, "tables": tables}

def reference(inputs, tables):
    # Faithful translation: per-field embedding lookup, stack on axis 1, reshape
    output = []
    for i in range(NUM_TABLES):
        val = inputs[:, i]
        output.append(jnp.take(tables[i], val, axis=0))
    stack_vectors = jnp.stack(output, axis=1)
    emb_vectors = jnp.reshape(stack_vectors, (-1, NUM_TABLES, EMB))
    return emb_vectors

if __name__ == "__main__":
    import jax
    _d = setup_inputs()
    print(jax.jit(kernel)(*tuple(_d.values())))

</pallas_src>

<mosaic_0001>
#map = affine_map<(d0, d1) -> (0, 0)>
#map1 = affine_map<(d0, d1) -> (0, 0, 0)>
module attributes {stable_mosaic.version = 14 : i64} {
  func.func @_gbody(%arg0: i32, %arg1: i32, %arg2: memref<26x4096xi32, #tpu.memory_space<hbm>>, %arg3: memref<26x50048x128xf32, #tpu.memory_space<hbm>>, %arg4: memref<26x4096x128xf32, #tpu.memory_space<hbm>>, %arg5: memref<26x128xi32, #tpu.memory_space<vmem>>, %arg6: memref<4x128xi32, #tpu.memory_space<vmem>>, %arg7: memref<4x128x128xf32, #tpu.memory_space<vmem>>, %arg8: memref<!tpu.dma_semaphore, #tpu.memory_space<semaphore_mem>>, %arg9: memref<!tpu.dma_semaphore, #tpu.memory_space<semaphore_mem>>) attributes {dimension_semantics = [#tpu.dimension_semantics<core_parallel>, #tpu.dimension_semantics<subcore_parallel>], iteration_bounds = array<i64: 2, 16>, scalar_prefetch = 0 : i64, scratch_operands = 5 : i64, tpu.core_type = #tpu.core_type<sc_vector_subcore>, window_params = [{transform_indices = #map}, {transform_indices = #map1}, {transform_indices = #map1}]} {
    %mul3A = arith.constant 2 : i32
    %mul3A_0 = arith.muli %arg1, %mul3A : i32
    %add3A = arith.addi %mul3A_0, %arg0 : i32
    %mul3A_1 = arith.constant 128 : i32
    %mul3A_2 = arith.muli %add3A, %mul3A_1 : i32
    "tpu.region"() ({
      %run_scoped3A = tpu.sem_alloc : memref<!tpu.dma_semaphore, #tpu.memory_space<semaphore_mem>>
      %dma_start3A_87 = arith.constant 0 : i32
      %dma_start3A_88 = tpu.memref_slice %arg2[%dma_start3A_87, %mul3A_2] : memref<26x4096xi32, #tpu.memory_space<hbm>> -> memref<26x128xi32, #tpu.memory_space<hbm>>
      %dma_start3A_89 = arith.constant 0 : i32
      %dma_start3A_90 = tpu.memref_slice %arg2[%dma_start3A_89, %mul3A_2] : memref<26x4096xi32, #tpu.memory_space<hbm>> -> memref<26x128xi32, #tpu.memory_space<hbm>>
      tpu.enqueue_dma source(%dma_start3A_90 : memref<26x128xi32, #tpu.memory_space<hbm>>) target(%arg5 : memref<26x128xi32, #tpu.memory_space<vmem>>) target_semaphore(%run_scoped3A : memref<!tpu.dma_semaphore, #tpu.memory_space<semaphore_mem>>)
      %dma_wait3A = arith.constant 0 : i32
      %dma_wait3A_91 = tpu.memref_slice %arg2[%dma_wait3A, %mul3A_2] : memref<26x4096xi32, #tpu.memory_space<hbm>> -> memref<26x128xi32, #tpu.memory_space<hbm>>
      %dma_wait3A_92 = arith.constant 0 : i32
      %dma_wait3A_93 = tpu.memref_slice %arg2[%dma_wait3A_92, %mul3A_2] : memref<26x4096xi32, #tpu.memory_space<hbm>> -> memref<26x128xi32, #tpu.memory_space<hbm>>
      tpu.wait_dma2 semaphore(%run_scoped3A : memref<!tpu.dma_semaphore, #tpu.memory_space<semaphore_mem>>) src(%dma_wait3A_93 : memref<26x128xi32, #tpu.memory_space<hbm>>) dst(%arg5 : memref<26x128xi32, #tpu.memory_space<vmem>>)
      tpu.yield
    }) : () -> ()
    %scan3A = arith.constant 0 : i32
    %scan3A_3 = arith.constant 0 : i32
    %scan3A_4 = arith.constant 8 : i32
    %scan3A_5 = arith.addi %scan3A_3, %scan3A_4 : i32
    %scan3A_6 = arith.constant 1 : i32
    %scan3A_7 = scf.for %scan3A_87 = %scan3A_3 to %scan3A_5 step %scan3A_6 iter_args(%scan3A_88 = %scan3A) -> (i32)  : i32 {
      %mul3A_89 = arith.constant 16 : i32
      %mul3A_90 = arith.muli %scan3A_87, %mul3A_89 : i32
      %get3A = arith.constant 0 : i32
      %get3A_91 = arith.index_cast %get3A : i32 to index
      %get3A_92 = arith.index_cast %mul3A_90 : i32 to index
      %get3A_93 = tpu.vector_load %arg5[%get3A_91, %get3A_92] {strides = array<i32>} : memref<26x128xi32, #tpu.memory_space<vmem>>, vector<16xi32>,
      %shift_right_logical3A = arith.constant 1 : i32
      %shift_right_logical3A_94 = vector.broadcast %shift_right_logical3A : i32 to vector<16xi32>
      %shift_right_logical3A_95 = arith.shrui %get3A_93, %shift_right_logical3A_94 : vector<16xi32>
      %mul3A_96 = arith.constant 16 : i32
      %mul3A_97 = arith.muli %scan3A_87, %mul3A_96 : i32
      %swap3A = arith.constant 0 : i32
      %swap3A_98 = arith.index_cast %swap3A : i32 to index
      %swap3A_99 = arith.index_cast %mul3A_97 : i32 to index
      %swap3A_100 = tpu.vector_load %arg6[%swap3A_98, %swap3A_99] {strides = array<i32>} : memref<4x128xi32, #tpu.memory_space<vmem>>, vector<16xi32>,
      tpu.vector_store %arg6[%swap3A_98, %swap3A_99], %shift_right_logical3A_95 {strides = array<i32>} : memref<4x128xi32, #tpu.memory_space<vmem>>, vector<16xi32>,
      %scan3A_101 = arith.constant 0 : i32
      scf.yield %scan3A_101 : i32
    }
    %scan3A_8 = arith.constant 8 : i32
    %dma_start3A = arith.constant 0 : i32
    %dma_start3A_9 = arith.constant 0 : i32
    %dma_start3A_10 = arith.constant 0 : i32
    %dma_start3A_11 = arith.constant 0 : i32
    %dma_start3A_12 = arith.constant 0 : i32
    %dma_start3A_13 = tpu.memref_slice %arg7[%dma_start3A_10, %dma_start3A_11, %dma_start3A_12] : memref<4x128x128xf32, #tpu.memory_space<vmem>> -> memref<1x128x128xf32, #tpu.memory_space<vmem>>
    %dma_start3A_14 = tpu.memref_squeeze %dma_start3A_13 : memref<1x128x128xf32, #tpu.memory_space<vmem>> -> memref<128x128xf32, #tpu.memory_space<vmem>>
    %dma_start3A_15 = arith.constant 0 : i32
    %dma_start3A_16 = tpu.memref_slice %arg6[%dma_start3A_9, %dma_start3A_15] : memref<4x128xi32, #tpu.memory_space<vmem>> -> memref<1x128xi32, #tpu.memory_space<vmem>>
    %dma_start3A_17 = tpu.memref_squeeze %dma_start3A_16 : memref<1x128xi32, #tpu.memory_space<vmem>> -> memref<128xi32, #tpu.memory_space<vmem>>
    %dma_start3A_18 = arith.constant 0 : i32
    %dma_start3A_19 = arith.constant 0 : i32
    %dma_start3A_20 = tpu.memref_slice %arg3[%dma_start3A, %dma_start3A_18, %dma_start3A_19] : memref<26x50048x128xf32, #tpu.memory_space<hbm>> -> memref<1x50048x128xf32, #tpu.memory_space<hbm>>
    %dma_start3A_21 = tpu.memref_squeeze %dma_start3A_20 : memref<1x50048x128xf32, #tpu.memory_space<hbm>> -> memref<50048x128xf32, #tpu.memory_space<hbm>>
    %dma_start3A_22 = arith.constant 0 : i32
    %dma_start3A_23 = arith.constant 0 : i32
    %dma_start3A_24 = tpu.memref_slice %dma_start3A_21[%dma_start3A_22, %dma_start3A_23] : memref<50048x128xf32, #tpu.memory_space<hbm>> -> memref<50048x128xf32, #tpu.memory_space<hbm>>
    tpu.enqueue_indirect_dma source(%dma_start3A_24 : memref<50048x128xf32, #tpu.memory_space<hbm>>) target(%dma_start3A_14 : memref<128x128xf32, #tpu.memory_space<vmem>>) offsets(%dma_start3A_17 : memref<128xi32, #tpu.memory_space<vmem>>) semaphore(%arg8 : memref<!tpu.dma_semaphore, #tpu.memory_space<semaphore_mem>>)
    %scan3A_25 = arith.constant 0 : i32
    %scan3A_26 = arith.constant 0 : i32
    %scan3A_27 = arith.constant 8 : i32
    %scan3A_28 = arith.addi %scan3A_26, %scan3A_27 : i32
    %scan3A_29 = arith.constant 1 : i32
    %scan3A_30 = scf.for %scan3A_87 = %scan3A_26 to %scan3A_28 step %scan3A_29 iter_args(%scan3A_88 = %scan3A_25) -> (i32)  : i32 {
      %mul3A_89 = arith.constant 16 : i32
      %mul3A_90 = arith.muli %scan3A_87, %mul3A_89 : i32
      %get3A = arith.constant 1 : i32
      %get3A_91 = arith.index_cast %get3A : i32 to index
      %get3A_92 = arith.index_cast %mul3A_90 : i32 to index
      %get3A_93 = tpu.vector_load %arg5[%get3A_91, %get3A_92] {strides = array<i32>} : memref<26x128xi32, #tpu.memory_space<vmem>>, vector<16xi32>,
      %shift_right_logical3A = arith.constant 1 : i32
      %shift_right_logical3A_94 = vector.broadcast %shift_right_logical3A : i32 to vector<16xi32>
      %shift_right_logical3A_95 = arith.shrui %get3A_93, %shift_right_logical3A_94 : vector<16xi32>
      %mul3A_96 = arith.constant 16 : i32
      %mul3A_97 = arith.muli %scan3A_87, %mul3A_96 : i32
      %swap3A = arith.constant 1 : i32
      %swap3A_98 = arith.index_cast %swap3A : i32 to index
      %swap3A_99 = arith.index_cast %mul3A_97 : i32 to index
      %swap3A_100 = tpu.vector_load %arg6[%swap3A_98, %swap3A_99] {strides = array<i32>} : memref<4x128xi32, #tpu.memory_space<vmem>>, vector<16xi32>,
      tpu.vector_store %arg6[%swap3A_98, %swap3A_99], %shift_right_logical3A_95 {strides = array<i32>} : memref<4x128xi32, #tpu.memory_space<vmem>>, vector<16xi32>,
      %scan3A_101 = arith.constant 0 : i32
      scf.yield %scan3A_101 : i32
    }
    %scan3A_31 = arith.constant 8 : i32
    %dma_start3A_32 = arith.constant 1 : i32
    %dma_start3A_33 = arith.constant 1 : i32
    %dma_start3A_34 = arith.constant 1 : i32
    %dma_start3A_35 = arith.constant 0 : i32
    %dma_start3A_36 = arith.constant 0 : i32
    %dma_start3A_37 = tpu.memref_slice %arg7[%dma_start3A_34, %dma_start3A_35, %dma_start3A_36] : memref<4x128x128xf32, #tpu.memory_space<vmem>> -> memref<1x128x128xf32, #tpu.memory_space<vmem>>
    %dma_start3A_38 = tpu.memref_squeeze %dma_start3A_37 : memref<1x128x128xf32, #tpu.memory_space<vmem>> -> memref<128x128xf32, #tpu.memory_space<vmem>>
    %dma_start3A_39 = arith.constant 0 : i32
    %dma_start3A_40 = tpu.memref_slice %arg6[%dma_start3A_33, %dma_start3A_39] : memref<4x128xi32, #tpu.memory_space<vmem>> -> memref<1x128xi32, #tpu.memory_space<vmem>>
    %dma_start3A_41 = tpu.memref_squeeze %dma_start3A_40 : memref<1x128xi32, #tpu.memory_space<vmem>> -> memref<128xi32, #tpu.memory_space<vmem>>
    %dma_start3A_42 = arith.constant 0 : i32
    %dma_start3A_43 = arith.constant 0 : i32
    %dma_start3A_44 = tpu.memref_slice %arg3[%dma_start3A_32, %dma_start3A_42, %dma_start3A_43] : memref<26x50048x128xf32, #tpu.memory_space<hbm>> -> memref<1x50048x128xf32, #tpu.memory_space<hbm>>
    %dma_start3A_45 = tpu.memref_squeeze %dma_start3A_44 : memref<1x50048x128xf32, #tpu.memory_space<hbm>> -> memref<50048x128xf32, #tpu.memory_space<hbm>>
    %dma_start3A_46 = arith.constant 0 : i32
    %dma_start3A_47 = arith.constant 0 : i32
    %dma_start3A_48 = tpu.memref_slice %dma_start3A_45[%dma_start3A_46, %dma_start3A_47] : memref<50048x128xf32, #tpu.memory_space<hbm>> -> memref<50048x128xf32, #tpu.memory_space<hbm>>
    tpu.enqueue_indirect_dma source(%dma_start3A_48 : memref<50048x128xf32, #tpu.memory_space<hbm>>) target(%dma_start3A_38 : memref<128x128xf32, #tpu.memory_space<vmem>>) offsets(%dma_start3A_41 : memref<128xi32, #tpu.memory_space<vmem>>) semaphore(%arg8 : memref<!tpu.dma_semaphore, #tpu.memory_space<semaphore_mem>>)
    %scan3A_49 = arith.constant 0 : i32
    %scan3A_50 = arith.constant 0 : i32
    %scan3A_51 = arith.constant 8 : i32
    %scan3A_52 = arith.addi %scan3A_50, %scan3A_51 : i32
    %scan3A_53 = arith.constant 1 : i32
    %scan3A_54 = scf.for %scan3A_87 = %scan3A_50 to %scan3A_52 step %scan3A_53 iter_args(%scan3A_88 = %scan3A_49) -> (i32)  : i32 {
      %mul3A_89 = arith.constant 16 : i32
      %mul3A_90 = arith.muli %scan3A_87, %mul3A_89 : i32
      %get3A = arith.constant 2 : i32
      %get3A_91 = arith.index_cast %get3A : i32 to index
      %get3A_92 = arith.index_cast %mul3A_90 : i32 to index
      %get3A_93 = tpu.vector_load %arg5[%get3A_91, %get3A_92] {strides = array<i32>} : memref<26x128xi32, #tpu.memory_space<vmem>>, vector<16xi32>,
      %shift_right_logical3A = arith.constant 1 : i32
      %shift_right_logical3A_94 = vector.broadcast %shift_right_logical3A : i32 to vector<16xi32>
      %shift_right_logical3A_95 = arith.shrui %get3A_93, %shift_right_logical3A_94 : vector<16xi32>
      %mul3A_96 = arith.constant 16 : i32
      %mul3A_97 = arith.muli %scan3A_87, %mul3A_96 : i32
      %swap3A = arith.constant 2 : i32
      %swap3A_98 = arith.index_cast %swap3A : i32 to index
      %swap3A_99 = arith.index_cast %mul3A_97 : i32 to index
      %swap3A_100 = tpu.vector_load %arg6[%swap3A_98, %swap3A_99] {strides = array<i32>} : memref<4x128xi32, #tpu.memory_space<vmem>>, vector<16xi32>,
      tpu.vector_store %arg6[%swap3A_98, %swap3A_99], %shift_right_logical3A_95 {strides = array<i32>} : memref<4x128xi32, #tpu.memory_space<vmem>>, vector<16xi32>,
      %scan3A_101 = arith.constant 0 : i32
      scf.yield %scan3A_101 : i32
    }
    %scan3A_55 = arith.constant 8 : i32
    %dma_start3A_56 = arith.constant 2 : i32
    %dma_start3A_57 = arith.constant 2 : i32
    %dma_start3A_58 = arith.constant 2 : i32
    %dma_start3A_59 = arith.constant 0 : i32
    %dma_start3A_60 = arith.constant 0 : i32
    %dma_start3A_61 = tpu.memref_slice %arg7[%dma_start3A_58, %dma_start3A_59, %dma_start3A_60] : memref<4x128x128xf32, #tpu.memory_space<vmem>> -> memref<1x128x128xf32, #tpu.memory_space<vmem>>
    %dma_start3A_62 = tpu.memref_squeeze %dma_start3A_61 : memref<1x128x128xf32, #tpu.memory_space<vmem>> -> memref<128x128xf32, #tpu.memory_space<vmem>>
    %dma_start3A_63 = arith.constant 0 : i32
    %dma_start3A_64 = tpu.memref_slice %arg6[%dma_start3A_57, %dma_start3A_63] : memref<4x128xi32, #tpu.memory_space<vmem>> -> memref<1x128xi32, #tpu.memory_space<vmem>>
    %dma_start3A_65 = tpu.memref_squeeze %dma_start3A_64 : memref<1x128xi32, #tpu.memory_space<vmem>> -> memref<128xi32, #tpu.memory_space<vmem>>
    %dma_start3A_66 = arith.constant 0 : i32
    %dma_start3A_67 = arith.constant 0 : i32
    %dma_start3A_68 = tpu.memref_slice %arg3[%dma_start3A_56, %dma_start3A_66, %dma_start3A_67] : memref<26x50048x128xf32, #tpu.memory_space<hbm>> -> memref<1x50048x128xf32, #tpu.memory_space<hbm>>
    %dma_start3A_69 = tpu.memref_squeeze %dma_start3A_68 : memref<1x50048x128xf32, #tpu.memory_space<hbm>> -> memref<50048x128xf32, #tpu.memory_space<hbm>>
    %dma_start3A_70 = arith.constant 0 : i32
    %dma_start3A_71 = arith.constant 0 : i32
    %dma_start3A_72 = tpu.memref_slice %dma_start3A_69[%dma_start3A_70, %dma_start3A_71] : memref<50048x128xf32, #tpu.memory_space<hbm>> -> memref<50048x128xf32, #tpu.memory_space<hbm>>
    tpu.enqueue_indirect_dma source(%dma_start3A_72 : memref<50048x128xf32, #tpu.memory_space<hbm>>) target(%dma_start3A_62 : memref<128x128xf32, #tpu.memory_space<vmem>>) offsets(%dma_start3A_65 : memref<128xi32, #tpu.memory_space<vmem>>) semaphore(%arg8 : memref<!tpu.dma_semaphore, #tpu.memory_space<semaphore_mem>>)
    %scan3A_73 = arith.constant 0 : i32
    %scan3A_74 = arith.constant 0 : i32
    %scan3A_75 = arith.constant 26 : i32
    %scan3A_76 = arith.addi %scan3A_74, %scan3A_75 : i32
    %scan3A_77 = arith.constant 1 : i32
    %scan3A_78 = scf.for %scan3A_87 = %scan3A_74 to %scan3A_76 step %scan3A_77 iter_args(%scan3A_88 = %scan3A_73) -> (i32)  : i32 {
      %and3A = arith.constant 3 : i32
      %and3A_89 = arith.andi %scan3A_87, %and3A : i32
      %dma_wait3A = arith.constant 0 : i32
      %dma_wait3A_90 = arith.constant 0 : i32
      %dma_wait3A_91 = arith.constant 0 : i32
      %dma_wait3A_92 = tpu.memref_slice %arg7[%and3A_89, %dma_wait3A_90, %dma_wait3A_91] : memref<4x128x128xf32, #tpu.memory_space<vmem>> -> memref<1x128x128xf32, #tpu.memory_space<vmem>>
      %dma_wait3A_93 = tpu.memref_squeeze %dma_wait3A_92 : memref<1x128x128xf32, #tpu.memory_space<vmem>> -> memref<128x128xf32, #tpu.memory_space<vmem>>
      %dma_wait3A_94 = arith.constant 0 : i32
      %dma_wait3A_95 = tpu.memref_slice %arg6[%and3A_89, %dma_wait3A_94] : memref<4x128xi32, #tpu.memory_space<vmem>> -> memref<1x128xi32, #tpu.memory_space<vmem>>
      %dma_wait3A_96 = tpu.memref_squeeze %dma_wait3A_95 : memref<1x128xi32, #tpu.memory_space<vmem>> -> memref<128xi32, #tpu.memory_space<vmem>>
      %dma_wait3A_97 = arith.constant 0 : i32
      %dma_wait3A_98 = arith.constant 0 : i32
      %dma_wait3A_99 = tpu.memref_slice %arg3[%dma_wait3A, %dma_wait3A_97, %dma_wait3A_98] : memref<26x50048x128xf32, #tpu.memory_space<hbm>> -> memref<1x50048x128xf32, #tpu.memory_space<hbm>>
      %dma_wait3A_100 = tpu.memref_squeeze %dma_wait3A_99 : memref<1x50048x128xf32, #tpu.memory_space<hbm>> -> memref<50048x128xf32, #tpu.memory_space<hbm>>
      %dma_wait3A_101 = arith.constant 0 : i32
      %dma_wait3A_102 = arith.constant 0 : i32
      %dma_wait3A_103 = tpu.memref_slice %dma_wait3A_100[%dma_wait3A_101, %dma_wait3A_102] : memref<50048x128xf32, #tpu.memory_space<hbm>> -> memref<50048x128xf32, #tpu.memory_space<hbm>>
      tpu.wait_indirect_dma semaphore(%arg8 : memref<!tpu.dma_semaphore, #tpu.memory_space<semaphore_mem>>) src(%dma_wait3A_103 : memref<50048x128xf32, #tpu.memory_space<hbm>>) dst(%dma_wait3A_93 : memref<128x128xf32, #tpu.memory_space<vmem>>)
      %dma_start3A_104 = arith.constant 0 : i32
      %dma_start3A_105 = arith.constant 0 : i32
      %dma_start3A_106 = tpu.memref_slice %arg7[%and3A_89, %dma_start3A_104, %dma_start3A_105] : memref<4x128x128xf32, #tpu.memory_space<vmem>> -> memref<1x128x128xf32, #tpu.memory_space<vmem>>
      %dma_start3A_107 = tpu.memref_squeeze %dma_start3A_106 : memref<1x128x128xf32, #tpu.memory_space<vmem>> -> memref<128x128xf32, #tpu.memory_space<vmem>>
      %dma_start3A_108 = arith.constant 0 : i32
      %dma_start3A_109 = tpu.memref_slice %arg4[%scan3A_87, %mul3A_2, %dma_start3A_108] : memref<26x4096x128xf32, #tpu.memory_space<hbm>> -> memref<1x128x128xf32, #tpu.memory_space<hbm>>
      %dma_start3A_110 = tpu.memref_squeeze %dma_start3A_109 : memref<1x128x128xf32, #tpu.memory_space<hbm>> -> memref<128x128xf32, #tpu.memory_space<hbm>>
      %dma_start3A_111 = arith.constant 0 : i32
      %dma_start3A_112 = tpu.memref_slice %arg4[%scan3A_87, %mul3A_2, %dma_start3A_111] : memref<26x4096x128xf32, #tpu.memory_space<hbm>> -> memref<1x128x128xf32, #tpu.memory_space<hbm>>
      %dma_start3A_113 = tpu.memref_squeeze %dma_start3A_112 : memref<1x128x128xf32, #tpu.memory_space<hbm>> -> memref<128x128xf32, #tpu.memory_space<hbm>>
      %dma_start3A_114 = arith.constant 0 : i32
      %dma_start3A_115 = arith.constant 0 : i32
      %dma_start3A_116 = tpu.memref_slice %arg7[%and3A_89, %dma_start3A_114, %dma_start3A_115] : memref<4x128x128xf32, #tpu.memory_space<vmem>> -> memref<1x128x128xf32, #tpu.memory_space<vmem>>
      %dma_start3A_117 = tpu.memref_squeeze %dma_start3A_116 : memref<1x128x128xf32, #tpu.memory_space<vmem>> -> memref<128x128xf32, #tpu.memory_space<vmem>>
      tpu.enqueue_dma source(%dma_start3A_117 : memref<128x128xf32, #tpu.memory_space<vmem>>) target(%dma_start3A_113 : memref<128x128xf32, #tpu.memory_space<hbm>>) target_semaphore(%arg9 : memref<!tpu.dma_semaphore, #tpu.memory_space<semaphore_mem>>)
      %add3A_118 = arith.constant 3 : i32
      %add3A_119 = arith.addi %scan3A_87, %add3A_118 : i32
      %lt3A = arith.constant 26 : i32
      %lt3A_120 = arith.cmpi slt, %add3A_119, %lt3A : i32
      %convert_element_type3A = arith.extui %lt3A_120 : i1 to i32
      %cond3A = arith.constant 0 : i32
      %cond3A_121 = arith.cmpi ne, %convert_element_type3A, %cond3A : i32
      scf.if %cond3A_121 {
        %ge3A = arith.constant 1 : i32
        %ge3A_123 = arith.cmpi sge, %scan3A_87, %ge3A : i32
        %convert_element_type3A_124 = arith.extui %ge3A_123 : i1 to i32
        %cond3A_125 = arith.constant 0 : i32
        %cond3A_126 = arith.cmpi ne, %convert_element_type3A_124, %cond3A_125 : i32
        scf.if %cond3A_126 {
          %sub3A = arith.constant 1 : i32
          %sub3A_154 = arith.subi %scan3A_87, %sub3A : i32
          %and3A_155 = arith.constant 3 : i32
          %and3A_156 = arith.andi %sub3A_154, %and3A_155 : i32
          %dma_wait3A_157 = arith.constant 0 : i32
          %dma_wait3A_158 = arith.constant 0 : i32
          %dma_wait3A_159 = arith.constant 0 : i32
          %dma_wait3A_160 = tpu.memref_slice %arg7[%and3A_156, %dma_wait3A_158, %dma_wait3A_159] : memref<4x128x128xf32, #tpu.memory_space<vmem>> -> memref<1x128x128xf32, #tpu.memory_space<vmem>>
          %dma_wait3A_161 = tpu.memref_squeeze %dma_wait3A_160 : memref<1x128x128xf32, #tpu.memory_space<vmem>> -> memref<128x128xf32, #tpu.memory_space<vmem>>
          %dma_wait3A_162 = arith.constant 0 : i32
          %dma_wait3A_163 = arith.constant 0 : i32
          %dma_wait3A_164 = tpu.memref_slice %arg4[%dma_wait3A_157, %dma_wait3A_162, %dma_wait3A_163] : memref<26x4096x128xf32, #tpu.memory_space<hbm>> -> memref<1x128x128xf32, #tpu.memory_space<hbm>>
          %dma_wait3A_165 = tpu.memref_squeeze %dma_wait3A_164 : memref<1x128x128xf32, #tpu.memory_space<hbm>> -> memref<128x128xf32, #tpu.memory_space<hbm>>
          %dma_wait3A_166 = arith.constant 0 : i32
          %dma_wait3A_167 = arith.constant 0 : i32
          %dma_wait3A_168 = tpu.memref_slice %arg4[%dma_wait3A_157, %dma_wait3A_166, %dma_wait3A_167] : memref<26x4096x128xf32, #tpu.memory_space<hbm>> -> memref<1x128x128xf32, #tpu.memory_space<hbm>>
          %dma_wait3A_169 = tpu.memref_squeeze %dma_wait3A_168 : memref<1x128x128xf32, #tpu.memory_space<hbm>> -> memref<128x128xf32, #tpu.memory_space<hbm>>
          %dma_wait3A_170 = arith.constant 0 : i32
          %dma_wait3A_171 = arith.constant 0 : i32
          %dma_wait3A_172 = tpu.memref_slice %arg7[%and3A_156, %dma_wait3A_170, %dma_wait3A_171] : memref<4x128x128xf32, #tpu.memory_space<vmem>> -> memref<1x128x128xf32, #tpu.memory_space<vmem>>
          %dma_wait3A_173 = tpu.memref_squeeze %dma_wait3A_172 : memref<1x128x128xf32, #tpu.memory_space<vmem>> -> memref<128x128xf32, #tpu.memory_space<vmem>>
          tpu.wait_dma2 semaphore(%arg9 : memref<!tpu.dma_semaphore, #tpu.memory_space<semaphore_mem>>) src(%dma_wait3A_173 : memref<128x128xf32, #tpu.memory_space<vmem>>) dst(%dma_wait3A_169 : memref<128x128xf32, #tpu.memory_space<hbm>>)
        } else {
        }
        %add3A_127 = arith.constant 3 : i32
        %add3A_128 = arith.addi %scan3A_87, %add3A_127 : i32
        %scan3A_129 = arith.constant 0 : i32
        %scan3A_130 = arith.constant 0 : i32
        %scan3A_131 = arith.constant 8 : i32
        %scan3A_132 = arith.addi %scan3A_130, %scan3A_131 : i32
        %scan3A_133 = arith.constant 1 : i32
        %scan3A_134 = scf.for %scan3A_154 = %scan3A_130 to %scan3A_132 step %scan3A_133 iter_args(%scan3A_155 = %scan3A_129) -> (i32)  : i32 {
          %mul3A_156 = arith.constant 16 : i32
          %mul3A_157 = arith.muli %scan3A_154, %mul3A_156 : i32
          %get3A = arith.index_cast %add3A_128 : i32 to index
          %get3A_158 = arith.index_cast %mul3A_157 : i32 to index
          %get3A_159 = tpu.vector_load %arg5[%get3A, %get3A_158] {strides = array<i32>} : memref<26x128xi32, #tpu.memory_space<vmem>>, vector<16xi32>,
          %shift_right_logical3A = arith.constant 1 : i32
          %shift_right_logical3A_160 = vector.broadcast %shift_right_logical3A : i32 to vector<16xi32>
          %shift_right_logical3A_161 = arith.shrui %get3A_159, %shift_right_logical3A_160 : vector<16xi32>
          %and3A_162 = arith.constant 3 : i32
          %and3A_163 = arith.andi %add3A_128, %and3A_162 : i32
          %mul3A_164 = arith.constant 16 : i32
          %mul3A_165 = arith.muli %scan3A_154, %mul3A_164 : i32
          %swap3A = arith.index_cast %and3A_163 : i32 to index
          %swap3A_166 = arith.index_cast %mul3A_165 : i32 to index
          %swap3A_167 = tpu.vector_load %arg6[%swap3A, %swap3A_166] {strides = array<i32>} : memref<4x128xi32, #tpu.memory_space<vmem>>, vector<16xi32>,
          tpu.vector_store %arg6[%swap3A, %swap3A_166], %shift_right_logical3A_161 {strides = array<i32>} : memref<4x128xi32, #tpu.memory_space<vmem>>, vector<16xi32>,
          %scan3A_168 = arith.constant 0 : i32
          scf.yield %scan3A_168 : i32
        }
        %scan3A_135 = arith.constant 8 : i32
        %and3A_136 = arith.constant 3 : i32
        %and3A_137 = arith.andi %add3A_128, %and3A_136 : i32
        %and3A_138 = arith.constant 3 : i32
        %and3A_139 = arith.andi %add3A_128, %and3A_138 : i32
        %dma_start3A_140 = arith.constant 0 : i32
        %dma_start3A_141 = arith.constant 0 : i32
        %dma_start3A_142 = tpu.memref_slice %arg7[%and3A_139, %dma_start3A_140, %dma_start3A_141] : memref<4x128x128xf32, #tpu.memory_space<vmem>> -> memref<1x128x128xf32, #tpu.memory_space<vmem>>
        %dma_start3A_143 = tpu.memref_squeeze %dma_start3A_142 : memref<1x128x128xf32, #tpu.memory_space<vmem>> -> memref<128x128xf32, #tpu.memory_space<vmem>>
        %dma_start3A_144 = arith.constant 0 : i32
        %dma_start3A_145 = tpu.memref_slice %arg6[%and3A_137, %dma_start3A_144] : memref<4x128xi32, #tpu.memory_space<vmem>> -> memref<1x128xi32, #tpu.memory_space<vmem>>
        %dma_start3A_146 = tpu.memref_squeeze %dma_start3A_145 : memref<1x128xi32, #tpu.memory_space<vmem>> -> memref<128xi32, #tpu.memory_space<vmem>>
        %dma_start3A_147 = arith.constant 0 : i32
        %dma_start3A_148 = arith.constant 0 : i32
        %dma_start3A_149 = tpu.memref_slice %arg3[%add3A_128, %dma_start3A_147, %dma_start3A_148] : memref<26x50048x128xf32, #tpu.memory_space<hbm>> -> memref<1x50048x128xf32, #tpu.memory_space<hbm>>
        %dma_start3A_150 = tpu.memref_squeeze %dma_start3A_149 : memref<1x50048x128xf32, #tpu.memory_space<hbm>> -> memref<50048x128xf32, #tpu.memory_space<hbm>>
        %dma_start3A_151 = arith.constant 0 : i32
        %dma_start3A_152 = arith.constant 0 : i32
        %dma_start3A_153 = tpu.memref_slice %dma_start3A_150[%dma_start3A_151, %dma_start3A_152] : memref<50048x128xf32, #tpu.memory_space<hbm>> -> memref<50048x128xf32, #tpu.memory_space<hbm>>
        tpu.enqueue_indirect_dma source(%dma_start3A_153 : memref<50048x128xf32, #tpu.memory_space<hbm>>) target(%dma_start3A_143 : memref<128x128xf32, #tpu.memory_space<vmem>>) offsets(%dma_start3A_146 : memref<128xi32, #tpu.memory_space<vmem>>) semaphore(%arg8 : memref<!tpu.dma_semaphore, #tpu.memory_space<semaphore_mem>>)
      } else {
      }
      %scan3A_122 = arith.constant 0 : i32
      scf.yield %scan3A_122 : i32
    }
    %scan3A_79 = arith.constant 26 : i32
    %scan3A_80 = arith.constant 0 : i32
    %scan3A_81 = arith.constant 22 : i32
    %scan3A_82 = arith.constant 4 : i32
    %scan3A_83 = arith.addi %scan3A_81, %scan3A_82 : i32
    %scan3A_84 = arith.constant 1 : i32
    %scan3A_85 = scf.for %scan3A_87 = %scan3A_81 to %scan3A_83 step %scan3A_84 iter_args(%scan3A_88 = %scan3A_80) -> (i32)  : i32 {
      %and3A = arith.constant 3 : i32
      %and3A_89 = arith.andi %scan3A_87, %and3A : i32
      %dma_wait3A = arith.constant 0 : i32
      %dma_wait3A_90 = arith.constant 0 : i32
      %dma_wait3A_91 = arith.constant 0 : i32
      %dma_wait3A_92 = tpu.memref_slice %arg7[%and3A_89, %dma_wait3A_90, %dma_wait3A_91] : memref<4x128x128xf32, #tpu.memory_space<vmem>> -> memref<1x128x128xf32, #tpu.memory_space<vmem>>
      %dma_wait3A_93 = tpu.memref_squeeze %dma_wait3A_92 : memref<1x128x128xf32, #tpu.memory_space<vmem>> -> memref<128x128xf32, #tpu.memory_space<vmem>>
      %dma_wait3A_94 = arith.constant 0 : i32
      %dma_wait3A_95 = arith.constant 0 : i32
      %dma_wait3A_96 = tpu.memref_slice %arg4[%dma_wait3A, %dma_wait3A_94, %dma_wait3A_95] : memref<26x4096x128xf32, #tpu.memory_space<hbm>> -> memref<1x128x128xf32, #tpu.memory_space<hbm>>
      %dma_wait3A_97 = tpu.memref_squeeze %dma_wait3A_96 : memref<1x128x128xf32, #tpu.memory_space<hbm>> -> memref<128x128xf32, #tpu.memory_space<hbm>>
      %dma_wait3A_98 = arith.constant 0 : i32
      %dma_wait3A_99 = arith.constant 0 : i32
      %dma_wait3A_100 = tpu.memref_slice %arg4[%dma_wait3A, %dma_wait3A_98, %dma_wait3A_99] : memref<26x4096x128xf32, #tpu.memory_space<hbm>> -> memref<1x128x128xf32, #tpu.memory_space<hbm>>
      %dma_wait3A_101 = tpu.memref_squeeze %dma_wait3A_100 : memref<1x128x128xf32, #tpu.memory_space<hbm>> -> memref<128x128xf32, #tpu.memory_space<hbm>>
      %dma_wait3A_102 = arith.constant 0 : i32
      %dma_wait3A_103 = arith.constant 0 : i32
      %dma_wait3A_104 = tpu.memref_slice %arg7[%and3A_89, %dma_wait3A_102, %dma_wait3A_103] : memref<4x128x128xf32, #tpu.memory_space<vmem>> -> memref<1x128x128xf32, #tpu.memory_space<vmem>>
      %dma_wait3A_105 = tpu.memref_squeeze %dma_wait3A_104 : memref<1x128x128xf32, #tpu.memory_space<vmem>> -> memref<128x128xf32, #tpu.memory_space<vmem>>
      tpu.wait_dma2 semaphore(%arg9 : memref<!tpu.dma_semaphore, #tpu.memory_space<semaphore_mem>>) src(%dma_wait3A_105 : memref<128x128xf32, #tpu.memory_space<vmem>>) dst(%dma_wait3A_101 : memref<128x128xf32, #tpu.memory_space<hbm>>)
      %scan3A_106 = arith.constant 0 : i32
      scf.yield %scan3A_106 : i32
    }
    %scan3A_86 = arith.constant 4 : i32
    return
  }
}

module attributes {stable_mosaic.version = 14 : i64} {
  func.func @_tc_body(%arg0: i32, %arg1: i32, %arg2: memref<1x512x128xf32, #tpu.memory_space<vmem>>, %arg3: memref<1x1x512xi32, #tpu.memory_space<vmem>>, %arg4: memref<1x64x512xf32, #tpu.memory_space<vmem>>) attributes {dimension_semantics = [#tpu.dimension_semantics<arbitrary>, #tpu.dimension_semantics<arbitrary>], iteration_bounds = array<i64: 26, 8>, scalar_prefetch = 0 : i64, scratch_operands = 0 : i64, tpu.core_type = #tpu.core_type<tc>, window_params = [{transform_indices = @transform_0, window_bounds = array<i64: 1, 512, 128>}, {transform_indices = @transform_1, window_bounds = array<i64: 1, 1, 512>}, {transform_indices = @transform_2, window_bounds = array<i64: 1, 64, 512>}]} {
    %get3A = arith.constant 0 : index
    %get3A_0 = arith.constant 0 : index
    %get3A_1 = arith.constant 0 : index
    %get3A_2 = vector.load %arg2[%get3A, %get3A_0, %get3A_1] : memref<1x512x128xf32, #tpu.memory_space<vmem>>, vector<1x512x128xf32>
    %get3A_3 = vector.shape_cast %get3A_2 : vector<1x512x128xf32> to vector<512x128xf32>
    %get3A_4 = arith.constant 0 : index
    %get3A_5 = arith.constant 0 : index
    %get3A_6 = arith.constant 0 : index
    %get3A_7 = vector.load %arg3[%get3A_4, %get3A_5, %get3A_6] : memref<1x1x512xi32, #tpu.memory_space<vmem>>, vector<1x1x512xi32>
    %get3A_8 = vector.shape_cast %get3A_7 : vector<1x1x512xi32> to vector<512xi32>
    %and3A = arith.constant 1 : i32
    %and3A_9 = vector.broadcast %and3A : i32 to vector<512xi32>
    %and3A_10 = arith.andi %get3A_8, %and3A_9 : vector<512xi32>
    %broadcast_in_dim3A = vector.shape_cast %and3A_10 : vector<512xi32> to vector<512x1xi32>
    %eq3A = arith.constant 1 : i32
    %eq3A_11 = vector.broadcast %eq3A : i32 to vector<512x1xi32>
    %eq3A_12 = arith.cmpi eq, %broadcast_in_dim3A, %eq3A_11 : vector<512x1xi32>
    %slice3A = vector.extract_strided_slice %get3A_3 {offsets = [0, 64], sizes = [512, 64], strides = [1, 1]} : vector<512x128xf32> to vector<512x64xf32>
    %slice3A_13 = vector.extract_strided_slice %get3A_3 {offsets = [0, 0], sizes = [512, 64], strides = [1, 1]} : vector<512x128xf32> to vector<512x64xf32>
    %broadcast_in_dim3A_14 = vector.shape_cast %eq3A_12 : vector<512x1xi1> to vector<512x1xi1>
    %broadcast_in_dim3A_15 = vector.broadcast %broadcast_in_dim3A_14 : vector<512x1xi1> to vector<512x64xi1>
    %select_n3A = arith.select %broadcast_in_dim3A_15, %slice3A, %slice3A_13 : vector<512x64xi1>, vector<512x64xf32>
    %transpose3A = tpu.transpose %select_n3A, [1, 0] : vector<512x64xf32> -> vector<64x512xf32>
    %swap3A = arith.constant 0 : index
    %swap3A_16 = arith.constant 0 : index
    %swap3A_17 = arith.constant 0 : index
    %swap3A_18 = vector.load %arg4[%swap3A, %swap3A_16, %swap3A_17] : memref<1x64x512xf32, #tpu.memory_space<vmem>>, vector<1x64x512xf32>
    %swap3A_19 = vector.shape_cast %swap3A_18 : vector<1x64x512xf32> to vector<64x512xf32>
    %swap3A_20 = vector.shape_cast %transpose3A : vector<64x512xf32> to vector<1x64x512xf32>
    tpu.vector_store %arg4[%swap3A, %swap3A_16, %swap3A_17], %swap3A_20 {strides = array<i32>} : memref<1x64x512xf32, #tpu.memory_space<vmem>>, vector<1x64x512xf32>,
    return
  }
  func.func @transform_0(%arg0: i32, %arg1: i32) -> (i32, i32, i32) {
    %c0_i32 = arith.constant 0 : i32
    %c0_i32_0 = arith.constant 0 : i32
    return %arg0, %arg1, %c0_i32 : i32, i32, i32
  }
  func.func @transform_1(%arg0: i32, %arg1: i32) -> (i32, i32, i32) {
    %mul3A = arith.constant 8 : i32
    %mul3A_0 = arith.muli %arg0, %mul3A : i32
    %add3A = arith.addi %mul3A_0, %arg1 : i32
    %c0_i32 = arith.constant 0 : i32
    %c0_i32_1 = arith.constant 0 : i32
    %c0_i32_2 = arith.constant 0 : i32
    return %add3A, %c0_i32, %c0_i32_1 : i32, i32, i32
  }
  func.func @transform_2(%arg0: i32, %arg1: i32) -> (i32, i32, i32) {
    %c0_i32 = arith.constant 0 : i32
    %c0_i32_0 = arith.constant 0 : i32
    return %arg0, %c0_i32, %arg1 : i32, i32, i32
  }
}

module attributes {stable_mosaic.version = 14 : i64} {
  func.func @_ta_body(%arg0: i32, %arg1: i32, %arg2: memref<1x64x5888xf32, #tpu.memory_space<vmem>>, %arg3: memref<1x2944x128xf32, #tpu.memory_space<vmem>>) attributes {dimension_semantics = [#tpu.dimension_semantics<arbitrary>, #tpu.dimension_semantics<arbitrary>], iteration_bounds = array<i64: 26, 17>, scalar_prefetch = 0 : i64, scratch_operands = 0 : i64, tpu.core_type = #tpu.core_type<tc>, window_params = [{transform_indices = @transform_0, window_bounds = array<i64: 1, 64, 5888>}, {transform_indices = @transform_1, window_bounds = array<i64: 1, 2944, 128>}]} {
    %iota3A = tpu.iota {dimensions = array<i32: 0>} : vector<128x128xi32>
    %iota3A_0 = tpu.iota {dimensions = array<i32: 1>} : vector<128x128xi32>
    %lt3A = arith.constant 64 : i32
    %lt3A_1 = vector.broadcast %lt3A : i32 to vector<128x128xi32>
    %lt3A_2 = arith.cmpi slt, %iota3A, %lt3A_1 : vector<128x128xi32>
    %mul3A = arith.constant 2 : i32
    %mul3A_3 = vector.broadcast %mul3A : i32 to vector<128x128xi32>
    %mul3A_4 = arith.muli %mul3A_3, %iota3A : vector<128x128xi32>
    %sub3A = arith.constant 64 : i32
    %sub3A_5 = vector.broadcast %sub3A : i32 to vector<128x128xi32>
    %sub3A_6 = arith.subi %iota3A, %sub3A_5 : vector<128x128xi32>
    %mul3A_7 = arith.constant 2 : i32
    %mul3A_8 = vector.broadcast %mul3A_7 : i32 to vector<128x128xi32>
    %mul3A_9 = arith.muli %mul3A_8, %sub3A_6 : vector<128x128xi32>
    %add3A = arith.constant 1 : i32
    %add3A_10 = vector.broadcast %add3A : i32 to vector<128x128xi32>
    %add3A_11 = arith.addi %mul3A_9, %add3A_10 : vector<128x128xi32>
    %select_n3A = arith.select %lt3A_2, %mul3A_4, %add3A_11 : vector<128x128xi1>, vector<128x128xi32>
    %eq3A = arith.cmpi eq, %iota3A_0, %select_n3A : vector<128x128xi32>
    %convert_element_type3A = arith.extui %eq3A : vector<128x128xi1> to vector<128x128xi32>
    %convert_element_type3A_12 = arith.sitofp %convert_element_type3A : vector<128x128xi32> to vector<128x128xf32>
    %get3A = arith.constant 0 : index
    %get3A_13 = arith.constant 0 : index
    %get3A_14 = arith.constant 0 : index
    %get3A_15 = vector.load %arg2[%get3A, %get3A_13, %get3A_14] : memref<1x64x5888xf32, #tpu.memory_space<vmem>>, vector<1x64x128xf32>
    %get3A_16 = vector.shape_cast %get3A_15 : vector<1x64x128xf32> to vector<64x128xf32>
    %get3A_17 = arith.constant 0 : index
    %get3A_18 = arith.constant 0 : index
    %get3A_19 = arith.constant 128 : index
    %get3A_20 = vector.load %arg2[%get3A_17, %get3A_18, %get3A_19] : memref<1x64x5888xf32, #tpu.memory_space<vmem>>, vector<1x64x128xf32>
    %get3A_21 = vector.shape_cast %get3A_20 : vector<1x64x128xf32> to vector<64x128xf32>
    %concatenate3A = tpu.concatenate %get3A_16, %get3A_21 in 0 : vector<64x128xf32>, vector<64x128xf32> -> vector<128x128xf32>
    %convert_element_type3A_22 = arith.truncf %concatenate3A : vector<128x128xf32> to vector<128x128xbf16>
    %convert_element_type3A_23 = arith.extf %convert_element_type3A_22 : vector<128x128xbf16> to vector<128x128xf32>
    %sub3A_24 = arith.subf %concatenate3A, %convert_element_type3A_23 : vector<128x128xf32>
    %convert_element_type3A_25 = arith.truncf %sub3A_24 : vector<128x128xf32> to vector<128x128xbf16>
    %convert_element_type3A_26 = arith.truncf %convert_element_type3A_12 : vector<128x128xf32> to vector<128x128xbf16>
    %dot_general3A = arith.constant dense<0.000000e+00> : vector<128x128xf32>
    %dot_general3A_27 = tpu.matmul %convert_element_type3A_26, %convert_element_type3A_22, %dot_general3A {dimension_numbers = #tpu.dot_dimension_numbers<[1], [1], [0], [0], [0, 0, 1, 0], [], []>, transpose_lhs_hint = false} : vector<128x128xbf16>, vector<128x128xbf16>, vector<128x128xf32> -> vector<128x128xf32>
    %dot_general3A_28 = arith.constant dense<0.000000e+00> : vector<128x128xf32>
    %dot_general3A_29 = tpu.matmul %convert_element_type3A_26, %convert_element_type3A_25, %dot_general3A_28 {dimension_numbers = #tpu.dot_dimension_numbers<[1], [1], [0], [0], [0, 0, 1, 0], [], []>, transpose_lhs_hint = false} : vector<128x128xbf16>, vector<128x128xbf16>, vector<128x128xf32> -> vector<128x128xf32>
    %add3A_30 = arith.addf %dot_general3A_27, %dot_general3A_29 : vector<128x128xf32>
    %slice3A = vector.extract_strided_slice %add3A_30 {offsets = [0, 0], sizes = [64, 64], strides = [1, 1]} : vector<128x128xf32> to vector<64x64xf32>
    %swap3A = arith.constant 0 : index
    %swap3A_31 = arith.constant 0 : index
    %swap3A_32 = arith.constant 0 : index
    %swap3A_33 = vector.load %arg3[%swap3A, %swap3A_31, %swap3A_32] : memref<1x2944x128xf32, #tpu.memory_space<vmem>>, vector<1x64x64xf32>
    %swap3A_34 = vector.shape_cast %swap3A_33 : vector<1x64x64xf32> to vector<64x64xf32>
    %swap3A_35 = vector.shape_cast %slice3A : vector<64x64xf32> to vector<1x64x64xf32>
    tpu.vector_store %arg3[%swap3A, %swap3A_31, %swap3A_32], %swap3A_35 {strides = array<i32>} : memref<1x2944x128xf32, #tpu.memory_space<vmem>>, vector<1x64x64xf32>,
    %slice3A_36 = vector.extract_strided_slice %add3A_30 {offsets = [64, 0], sizes = [64, 64], strides = [1, 1]} : vector<128x128xf32> to vector<64x64xf32>
    %swap3A_37 = arith.constant 0 : index
    %swap3A_38 = arith.constant 0 : index
    %swap3A_39 = arith.constant 64 : index
    %swap3A_40 = vector.load %arg3[%swap3A_37, %swap3A_38, %swap3A_39] : memref<1x2944x128xf32, #tpu.memory_space<vmem>>, vector<1x64x64xf32>
    %swap3A_41 = vector.shape_cast %swap3A_40 : vector<1x64x64xf32> to vector<64x64xf32>
    %swap3A_42 = vector.shape_cast %slice3A_36 : vector<64x64xf32> to vector<1x64x64xf32>
    tpu.vector_store %arg3[%swap3A_37, %swap3A_38, %swap3A_39], %swap3A_42 {strides = array<i32>} : memref<1x2944x128xf32, #tpu.memory_space<vmem>>, vector<1x64x64xf32>,
    %slice3A_43 = vector.extract_strided_slice %add3A_30 {offsets = [0, 64], sizes = [64, 64], strides = [1, 1]} : vector<128x128xf32> to vector<64x64xf32>
    %swap3A_44 = arith.constant 0 : index
    %swap3A_45 = arith.constant 64 : index
    %swap3A_46 = arith.constant 0 : index
    %swap3A_47 = vector.load %arg3[%swap3A_44, %swap3A_45, %swap3A_46] : memref<1x2944x128xf32, #tpu.memory_space<vmem>>, vector<1x64x64xf32>
    %swap3A_48 = vector.shape_cast %swap3A_47 : vector<1x64x64xf32> to vector<64x64xf32>
    %swap3A_49 = vector.shape_cast %slice3A_43 : vector<64x64xf32> to vector<1x64x64xf32>
    tpu.vector_store %arg3[%swap3A_44, %swap3A_45, %swap3A_46], %swap3A_49 {strides = array<i32>} : memref<1x2944x128xf32, #tpu.memory_space<vmem>>, vector<1x64x64xf32>,
    %slice3A_50 = vector.extract_strided_slice %add3A_30 {offsets = [64, 64], sizes = [64, 64], strides = [1, 1]} : vector<128x128xf32> to vector<64x64xf32>
    %swap3A_51 = arith.constant 0 : index
    %swap3A_52 = arith.constant 64 : index
    %swap3A_53 = arith.constant 64 : index
    %swap3A_54 = vector.load %arg3[%swap3A_51, %swap3A_52, %swap3A_53] : memref<1x2944x128xf32, #tpu.memory_space<vmem>>, vector<1x64x64xf32>
    %swap3A_55 = vector.shape_cast %swap3A_54 : vector<1x64x64xf32> to vector<64x64xf32>
    %swap3A_56 = vector.shape_cast %slice3A_50 : vector<64x64xf32> to vector<1x64x64xf32>
    tpu.vector_store %arg3[%swap3A_51, %swap3A_52, %swap3A_53], %swap3A_56 {strides = array<i32>} : memref<1x2944x128xf32, #tpu.memory_space<vmem>>, vector<1x64x64xf32>,
    %get3A_57 = arith.constant 0 : index
    %get3A_58 = arith.constant 0 : index
    %get3A_59 = arith.constant 256 : index
    %get3A_60 = vector.load %arg2[%get3A_57, %get3A_58, %get3A_59] : memref<1x64x5888xf32, #tpu.memory_space<vmem>>, vector<1x64x128xf32>
    %get3A_61 = vector.shape_cast %get3A_60 : vector<1x64x128xf32> to vector<64x128xf32>
    %get3A_62 = arith.constant 0 : index
    %get3A_63 = arith.constant 0 : index
    %get3A_64 = arith.constant 384 : index
    %get3A_65 = vector.load %arg2[%get3A_62, %get3A_63, %get3A_64] : memref<1x64x5888xf32, #tpu.memory_space<vmem>>, vector<1x64x128xf32>
    %get3A_66 = vector.shape_cast %get3A_65 : vector<1x64x128xf32> to vector<64x128xf32>
    %concatenate3A_67 = tpu.concatenate %get3A_61, %get3A_66 in 0 : vector<64x128xf32>, vector<64x128xf32> -> vector<128x128xf32>
    %convert_element_type3A_68 = arith.truncf %concatenate3A_67 : vector<128x128xf32> to vector<128x128xbf16>
    %convert_element_type3A_69 = arith.extf %convert_element_type3A_68 : vector<128x128xbf16> to vector<128x128xf32>
    %sub3A_70 = arith.subf %concatenate3A_67, %convert_element_type3A_69 : vector<128x128xf32>
    %convert_element_type3A_71 = arith.truncf %sub3A_70 : vector<128x128xf32> to vector<128x128xbf16>
    %convert_element_type3A_72 = arith.truncf %convert_element_type3A_12 : vector<128x128xf32> to vector<128x128xbf16>
    %dot_general3A_73 = arith.constant dense<0.000000e+00> : vector<128x128xf32>
    %dot_general3A_74 = tpu.matmul %convert_element_type3A_72, %convert_element_type3A_68, %dot_general3A_73 {dimension_numbers = #tpu.dot_dimension_numbers<[1], [1], [0], [0], [0, 0, 1, 0], [], []>, transpose_lhs_hint = false} : vector<128x128xbf16>, vector<128x128xbf16>, vector<128x128xf32> -> vector<128x128xf32>
    %dot_general3A_75 = arith.constant dense<0.000000e+00> : vector<128x128xf32>
    %dot_general3A_76 = tpu.matmul %convert_element_type3A_72, %convert_element_type3A_71, %dot_general3A_75 {dimension_numbers = #tpu.dot_dimension_numbers<[1], [1], [0], [0], [0, 0, 1, 0], [], []>, transpose_lhs_hint = false} : vector<128x128xbf16>, vector<128x128xbf16>, vector<128x128xf32> -> vector<128x128xf32>
    %add3A_77 = arith.addf %dot_general3A_74, %dot_general3A_76 : vector<128x128xf32>
    %slice3A_78 = vector.extract_strided_slice %add3A_77 {offsets = [0, 0], sizes = [64, 64], strides = [1, 1]} : vector<128x128xf32> to vector<64x64xf32>
    %swap3A_79 = arith.constant 0 : index
    %swap3A_80 = arith.constant 128 : index
    %swap3A_81 = arith.constant 0 : index
    %swap3A_82 = vector.load %arg3[%swap3A_79, %swap3A_80, %swap3A_81] : memref<1x2944x128xf32, #tpu.memory_space<vmem>>, vector<1x64x64xf32>
    %swap3A_83 = vector.shape_cast %swap3A_82 : vector<1x64x64xf32> to vector<64x64xf32>
    %swap3A_84 = vector.shape_cast %slice3A_78 : vector<64x64xf32> to vector<1x64x64xf32>
    tpu.vector_store %arg3[%swap3A_79, %swap3A_80, %swap3A_81], %swap3A_84 {strides = array<i32>} : memref<1x2944x128xf32, #tpu.memory_space<vmem>>, vector<1x64x64xf32>,
    %slice3A_85 = vector.extract_strided_slice %add3A_77 {offsets = [64, 0], sizes = [64, 64], strides = [1, 1]} : vector<128x128xf32> to vector<64x64xf32>
    %swap3A_86 = arith.constant 0 : index
    %swap3A_87 = arith.constant 128 : index
    %swap3A_88 = arith.constant 64 : index
    %swap3A_89 = vector.load %arg3[%swap3A_86, %swap3A_87, %swap3A_88] : memref<1x2944x128xf32, #tpu.memory_space<vmem>>, vector<1x64x64xf32>
    %swap3A_90 = vector.shape_cast %swap3A_89 : vector<1x64x64xf32> to vector<64x64xf32>
    %swap3A_91 = vector.shape_cast %slice3A_85 : vector<64x64xf32> to vector<1x64x64xf32>
    tpu.vector_store %arg3[%swap3A_86, %swap3A_87, %swap3A_88], %swap3A_91 {strides = array<i32>} : memref<1x2944x128xf32, #tpu.memory_space<vmem>>, vector<1x64x64xf32>,
    %slice3A_92 = vector.extract_strided_slice %add3A_77 {offsets = [0, 64], sizes = [64, 64], strides = [1, 1]} : vector<128x128xf32> to vector<64x64xf32>
    %swap3A_93 = arith.constant 0 : index
    %swap3A_94 = arith.constant 192 : index
    %swap3A_95 = arith.constant 0 : index
    %swap3A_96 = vector.load %arg3[%swap3A_93, %swap3A_94, %swap3A_95] : memref<1x2944x128xf32, #tpu.memory_space<vmem>>, vector<1x64x64xf32>
    %swap3A_97 = vector.shape_cast %swap3A_96 : vector<1x64x64xf32> to vector<64x64xf32>
    %swap3A_98 = vector.shape_cast %slice3A_92 : vector<64x64xf32> to vector<1x64x64xf32>
    tpu.vector_store %arg3[%swap3A_93, %swap3A_94, %swap3A_95], %swap3A_98 {strides = array<i32>} : memref<1x2944x128xf32, #tpu.memory_space<vmem>>, vector<1x64x64xf32>,
    %slice3A_99 = vector.extract_strided_slice %add3A_77 {offsets = [64, 64], sizes = [64, 64], strides = [1, 1]} : vector<128x128xf32> to vector<64x64xf32>
    %swap3A_100 = arith.constant 0 : index
    %swap3A_101 = arith.constant 192 : index
    %swap3A_102 = arith.constant 64 : index
    %swap3A_103 = vector.load %arg3[%swap3A_100, %swap3A_101, %swap3A_102] : memref<1x2944x128xf32, #tpu.memory_space<vmem>>, vector<1x64x64xf32>
    %swap3A_104 = vector.shape_cast %swap3A_103 : vector<1x64x64xf32> to vector<64x64xf32>
    %swap3A_105 = vector.shape_cast %slice3A_99 : vector<64x64xf32> to vector<1x64x64xf32>
    tpu.vector_store %arg3[%swap3A_100, %swap3A_101, %swap3A_102], %swap3A_105 {strides = array<i32>} : memref<1x2944x128xf32, #tpu.memory_space<vmem>>, vector<1x64x64xf32>,
    %get3A_106 = arith.constant 0 : index
    %get3A_107 = arith.constant 0 : index
    %get3A_108 = arith.constant 512 : index
    %get3A_109 = vector.load %arg2[%get3A_106, %get3A_107, %get3A_108] : memref<1x64x5888xf32, #tpu.memory_space<vmem>>, vector<1x64x128xf32>
    %get3A_110 = vector.shape_cast %get3A_109 : vector<1x64x128xf32> to vector<64x128xf32>
    %get3A_111 = arith.constant 0 : index
    %get3A_112 = arith.constant 0 : index
    %get3A_113 = arith.constant 640 : index
    %get3A_114 = vector.load %arg2[%get3A_111, %get3A_112, %get3A_113] : memref<1x64x5888xf32, #tpu.memory_space<vmem>>, vector<1x64x128xf32>
    %get3A_115 = vector.shape_cast %get3A_114 : vector<1x64x128xf32> to vector<64x128xf32>
    %concatenate3A_116 = tpu.concatenate %get3A_110, %get3A_115 in 0 : vector<64x128xf32>, vector<64x128xf32> -> vector<128x128xf32>
    %convert_element_type3A_117 = arith.truncf %concatenate3A_116 : vector<128x128xf32> to vector<128x128xbf16>
    %convert_element_type3A_118 = arith.extf %convert_element_type3A_117 : vector<128x128xbf16> to vector<128x128xf32>
    %sub3A_119 = arith.subf %concatenate3A_116, %convert_element_type3A_118 : vector<128x128xf32>
    %convert_element_type3A_120 = arith.truncf %sub3A_119 : vector<128x128xf32> to vector<128x128xbf16>
    %convert_element_type3A_121 = arith.truncf %convert_element_type3A_12 : vector<128x128xf32> to vector<128x128xbf16>
    %dot_general3A_122 = arith.constant dense<0.000000e+00> : vector<128x128xf32>
    %dot_general3A_123 = tpu.matmul %convert_element_type3A_121, %convert_element_type3A_117, %dot_general3A_122 {dimension_numbers = #tpu.dot_dimension_numbers<[1], [1], [0], [0], [0, 0, 1, 0], [], []>, transpose_lhs_hint = false} : vector<128x128xbf16>, vector<128x128xbf16>, vector<128x128xf32> -> vector<128x128xf32>
    %dot_general3A_124 = arith.constant dense<0.000000e+00> : vector<128x128xf32>
    %dot_general3A_125 = tpu.matmul %convert_element_type3A_121, %convert_element_type3A_120, %dot_general3A_124 {dimension_numbers = #tpu.dot_dimension_numbers<[1], [1], [0], [0], [0, 0, 1, 0], [], []>, transpose_lhs_hint = false} : vector<128x128xbf16>, vector<128x128xbf16>, vector<128x128xf32> -> vector<128x128xf32>
    %add3A_126 = arith.addf %dot_general3A_123, %dot_general3A_125 : vector<128x128xf32>
    %slice3A_127 = vector.extract_strided_slice %add3A_126 {offsets = [0, 0], sizes = [64, 64], strides = [1, 1]} : vector<128x128xf32> to vector<64x64xf32>
    %swap3A_128 = arith.constant 0 : index
    %swap3A_129 = arith.constant 256 : index
    %swap3A_130 = arith.constant 0 : index
    %swap3A_131 = vector.load %arg3[%swap3A_128, %swap3A_129, %swap3A_130] : memref<1x2944x128xf32, #tpu.memory_space<vmem>>, vector<1x64x64xf32>
    %swap3A_132 = vector.shape_cast %swap3A_131 : vector<1x64x64xf32> to vector<64x64xf32>
    %swap3A_133 = vector.shape_cast %slice3A_127 : vector<64x64xf32> to vector<1x64x64xf32>
    tpu.vector_store %arg3[%swap3A_128, %swap3A_129, %swap3A_130], %swap3A_133 {strides = array<i32>} : memref<1x2944x128xf32, #tpu.memory_space<vmem>>, vector<1x64x64xf32>,
    %slice3A_134 = vector.extract_strided_slice %add3A_126 {offsets = [64, 0], sizes = [64, 64], strides = [1, 1]} : vector<128x128xf32> to vector<64x64xf32>
    %swap3A_135 = arith.constant 0 : index
    %swap3A_136 = arith.constant 256 : index
    %swap3A_137 = arith.constant 64 : index
    %swap3A_138 = vector.load %arg3[%swap3A_135, %swap3A_136, %swap3A_137] : memref<1x2944x128xf32, #tpu.memory_space<vmem>>, vector<1x64x64xf32>
    %swap3A_139 = vector.shape_cast %swap3A_138 : vector<1x64x64xf32> to vector<64x64xf32>
    %swap3A_140 = vector.shape_cast %slice3A_134 : vector<64x64xf32> to vector<1x64x64xf32>
    tpu.vector_store %arg3[%swap3A_135, %swap3A_136, %swap3A_137], %swap3A_140 {strides = array<i32>} : memref<1x2944x128xf32, #tpu.memory_space<vmem>>, vector<1x64x64xf32>,
    %slice3A_141 = vector.extract_strided_slice %add3A_126 {offsets = [0, 64], sizes = [64, 64], strides = [1, 1]} : vector<128x128xf32> to vector<64x64xf32>
    %swap3A_142 = arith.constant 0 : index
    %swap3A_143 = arith.constant 320 : index
    %swap3A_144 = arith.constant 0 : index
    %swap3A_145 = vector.load %arg3[%swap3A_142, %swap3A_143, %swap3A_144] : memref<1x2944x128xf32, #tpu.memory_space<vmem>>, vector<1x64x64xf32>
    %swap3A_146 = vector.shape_cast %swap3A_145 : vector<1x64x64xf32> to vector<64x64xf32>
    %swap3A_147 = vector.shape_cast %slice3A_141 : vector<64x64xf32> to vector<1x64x64xf32>
    tpu.vector_store %arg3[%swap3A_142, %swap3A_143, %swap3A_144], %swap3A_147 {strides = array<i32>} : memref<1x2944x128xf32, #tpu.memory_space<vmem>>, vector<1x64x64xf32>,
    %slice3A_148 = vector.extract_strided_slice %add3A_126 {offsets = [64, 64], sizes = [64, 64], strides = [1, 1]} : vector<128x128xf32> to vector<64x64xf32>
    %swap3A_149 = arith.constant 0 : index
    %swap3A_150 = arith.constant 320 : index
    %swap3A_151 = arith.constant 64 : index
    %swap3A_152 = vector.load %arg3[%swap3A_149, %swap3A_150, %swap3A_151] : memref<1x2944x128xf32, #tpu.memory_space<vmem>>, vector<1x64x64xf32>
    %swap3A_153 = vector.shape_cast %swap3A_152 : vector<1x64x64xf32> to vector<64x64xf32>
    %swap3A_154 = vector.shape_cast %slice3A_148 : vector<64x64xf32> to vector<1x64x64xf32>
    tpu.vector_store %arg3[%swap3A_149, %swap3A_150, %swap3A_151], %swap3A_154 {strides = array<i32>} : memref<1x2944x128xf32, #tpu.memory_space<vmem>>, vector<1x64x64xf32>,
    %get3A_155 = arith.constant 0 : index
    %get3A_156 = arith.constant 0 : index
    %get3A_157 = arith.constant 768 : index
    %get3A_158 = vector.load %arg2[%get3A_155, %get3A_156, %get3A_157] : memref<1x64x5888xf32, #tpu.memory_space<vmem>>, vector<1x64x128xf32>
    %get3A_159 = vector.shape_cast %get3A_158 : vector<1x64x128xf32> to vector<64x128xf32>
    %get3A_160 = arith.constant 0 : index
    %get3A_161 = arith.constant 0 : index
    %get3A_162 = arith.constant 896 : index
    %get3A_163 = vector.load %arg2[%get3A_160, %get3A_161, %get3A_162] : memref<1x64x5888xf32, #tpu.memory_space<vmem>>, vector<1x64x128xf32>
    %get3A_164 = vector.shape_cast %get3A_163 : vector<1x64x128xf32> to vector<64x128xf32>
    %concatenate3A_165 = tpu.concatenate %get3A_159, %get3A_164 in 0 : vector<64x128xf32>, vector<64x128xf32> -> vector<128x128xf32>
    %convert_element_type3A_166 = arith.truncf %concatenate3A_165 : vector<128x128xf32> to vector<128x128xbf16>
    %convert_element_type3A_167 = arith.extf %convert_element_type3A_166 : vector<128x128xbf16> to vector<128x128xf32>
    %sub3A_168 = arith.subf %concatenate3A_165, %convert_element_type3A_167 : vector<128x128xf32>
    %convert_element_type3A_169 = arith.truncf %sub3A_168 : vector<128x128xf32> to vector<128x128xbf16>
    %convert_element_type3A_170 = arith.truncf %convert_element_type3A_12 : vector<128x128xf32> to vector<128x128xbf16>
    %dot_general3A_171 = arith.constant dense<0.000000e+00> : vector<128x128xf32>
    %dot_general3A_172 = tpu.matmul %convert_element_type3A_170, %convert_element_type3A_166, %dot_general3A_171 {dimension_numbers = #tpu.dot_dimension_numbers<[1], [1], [0], [0], [0, 0, 1, 0], [], []>, transpose_lhs_hint = false} : vector<128x128xbf16>, vector<128x128xbf16>, vector<128x128xf32> -> vector<128x128xf32>
    %dot_general3A_173 = arith.constant dense<0.000000e+00> : vector<128x128xf32>
    %dot_general3A_174 = tpu.matmul %convert_element_type3A_170, %convert_element_type3A_169, %dot_general3A_173 {dimension_numbers = #tpu.dot_dimension_numbers<[1], [1], [0], [0], [0, 0, 1, 0], [], []>, transpose_lhs_hint = false} : vector<128x128xbf16>, vector<128x128xbf16>, vector<128x128xf32> -> vector<128x128xf32>
    %add3A_175 = arith.addf %dot_general3A_172, %dot_general3A_174 : vector<128x128xf32>
    %slice3A_176 = vector.extract_strided_slice %add3A_175 {offsets = [0, 0], sizes = [64, 64], strides = [1, 1]} : vector<128x128xf32> to vector<64x64xf32>
    %swap3A_177 = arith.constant 0 : index
    %swap3A_178 = arith.constant 384 : index
    %swap3A_179 = arith.constant 0 : index
    %swap3A_180 = vector.load %arg3[%swap3A_177, %swap3A_178, %swap3A_179] : memref<1x2944x128xf32, #tpu.memory_space<vmem>>, vector<1x64x64xf32>
    %swap3A_181 = vector.shape_cast %swap3A_180 : vector<1x64x64xf32> to vector<64x64xf32>
    %swap3A_182 = vector.shape_cast %slice3A_176 : vector<64x64xf32> to vector<1x64x64xf32>
    tpu.vector_store %arg3[%swap3A_177, %swap3A_178, %swap3A_179], %swap3A_182 {strides = array<i32>} : memref<1x2944x128xf32, #tpu.memory_space<vmem>>, vector<1x64x64xf32>,
    %slice3A_183 = vector.extract_strided_slice %add3A_175 {offsets = [64, 0], sizes = [64, 64], strides = [1, 1]} : vector<128x128xf32> to vector<64x64xf32>
    %swap3A_184 = arith.constant 0 : index
    %swap3A_185 = arith.constant 384 : index
    %swap3A_186 = arith.constant 64 : index
    %swap3A_187 = vector.load %arg3[%swap3A_184, %swap3A_185, %swap3A_186] : memref<1x2944x128xf32, #tpu.memory_space<vmem>>, vector<1x64x64xf32>
    %swap3A_188 = vector.shape_cast %swap3A_187 : vector<1x64x64xf32> to vector<64x64xf32>
    %swap3A_189 = vector.shape_cast %slice3A_183 : vector<64x64xf32> to vector<1x64x64xf32>
    tpu.vector_store %arg3[%swap3A_184, %swap3A_185, %swap3A_186], %swap3A_189 {strides = array<i32>} : memref<1x2944x128xf32, #tpu.memory_space<vmem>>, vector<1x64x64xf32>,
    %slice3A_190 = vector.extract_strided_slice %add3A_175 {offsets = [0, 64], sizes = [64, 64], strides = [1, 1]} : vector<128x128xf32> to vector<64x64xf32>
    %swap3A_191 = arith.constant 0 : index
    %swap3A_192 = arith.constant 448 : index
    %swap3A_193 = arith.constant 0 : index
    %swap3A_194 = vector.load %arg3[%swap3A_191, %swap3A_192, %swap3A_193] : memref<1x2944x128xf32, #tpu.memory_space<vmem>>, vector<1x64x64xf32>
    %swap3A_195 = vector.shape_cast %swap3A_194 : vector<1x64x64xf32> to vector<64x64xf32>
    %swap3A_196 = vector.shape_cast %slice3A_190 : vector<64x64xf32> to vector<1x64x64xf32>
    tpu.vector_store %arg3[%swap3A_191, %swap3A_192, %swap3A_193], %swap3A_196 {strides = array<i32>} : memref<1x2944x128xf32, #tpu.memory_space<vmem>>, vector<1x64x64xf32>,
    %slice3A_197 = vector.extract_strided_slice %add3A_175 {offsets = [64, 64], sizes = [64, 64], strides = [1, 1]} : vector<128x128xf32> to vector<64x64xf32>
    %swap3A_198 = arith.constant 0 : index
    %swap3A_199 = arith.constant 448 : index
    %swap3A_200 = arith.constant 64 : index
    %swap3A_201 = vector.load %arg3[%swap3A_198, %swap3A_199, %swap3A_200] : memref<1x2944x128xf32, #tpu.memory_space<vmem>>, vector<1x64x64xf32>
    %swap3A_202 = vector.shape_cast %swap3A_201 : vector<1x64x64xf32> to vector<64x64xf32>
    %swap3A_203 = vector.shape_cast %slice3A_197 : vector<64x64xf32> to vector<1x64x64xf32>
    tpu.vector_store %arg3[%swap3A_198, %swap3A_199, %swap3A_200], %swap3A_203 {strides = array<i32>} : memref<1x2944x128xf32, #tpu.memory_space<vmem>>, vector<1x64x64xf32>,
    %get3A_204 = arith.constant 0 : index
    %get3A_205 = arith.constant 0 : index
    %get3A_206 = arith.constant 1024 : index
    %get3A_207 = vector.load %arg2[%get3A_204, %get3A_205, %get3A_206] : memref<1x64x5888xf32, #tpu.memory_space<vmem>>, vector<1x64x128xf32>
    %get3A_208 = vector.shape_cast %get3A_207 : vector<1x64x128xf32> to vector<64x128xf32>
    %get3A_209 = arith.constant 0 : index
    %get3A_210 = arith.constant 0 : index
    %get3A_211 = arith.constant 1152 : index
    %get3A_212 = vector.load %arg2[%get3A_209, %get3A_210, %get3A_211] : memref<1x64x5888xf32, #tpu.memory_space<vmem>>, vector<1x64x128xf32>
    %get3A_213 = vector.shape_cast %get3A_212 : vector<1x64x128xf32> to vector<64x128xf32>
    %concatenate3A_214 = tpu.concatenate %get3A_208, %get3A_213 in 0 : vector<64x128xf32>, vector<64x128xf32> -> vector<128x128xf32>
    %convert_element_type3A_215 = arith.truncf %concatenate3A_214 : vector<128x128xf32> to vector<128x128xbf16>
    %convert_element_type3A_216 = arith.extf %convert_element_type3A_215 : vector<128x128xbf16> to vector<128x128xf32>
    %sub3A_217 = arith.subf %concatenate3A_214, %convert_element_type3A_216 : vector<128x128xf32>
    %convert_element_type3A_218 = arith.truncf %sub3A_217 : vector<128x128xf32> to vector<128x128xbf16>
    %convert_element_type3A_219 = arith.truncf %convert_element_type3A_12 : vector<128x128xf32> to vector<128x128xbf16>
    %dot_general3A_220 = arith.constant dense<0.000000e+00> : vector<128x128xf32>
    %dot_general3A_221 = tpu.matmul %convert_element_type3A_219, %convert_element_type3A_215, %dot_general3A_220 {dimension_numbers = #tpu.dot_dimension_numbers<[1], [1], [0], [0], [0, 0, 1, 0], [], []>, transpose_lhs_hint = false} : vector<128x128xbf16>, vector<128x128xbf16>, vector<128x128xf32> -> vector<128x128xf32>
    %dot_general3A_222 = arith.constant dense<0.000000e+00> : vector<128x128xf32>
    %dot_general3A_223 = tpu.matmul %convert_element_type3A_219, %convert_element_type3A_218, %dot_general3A_222 {dimension_numbers = #tpu.dot_dimension_numbers<[1], [1], [0], [0], [0, 0, 1, 0], [], []>, transpose_lhs_hint = false} : vector<128x128xbf16>, vector<128x128xbf16>, vector<128x128xf32> -> vector<128x128xf32>
    %add3A_224 = arith.addf %dot_general3A_221, %dot_general3A_223 : vector<128x128xf32>
    %slice3A_225 = vector.extract_strided_slice %add3A_224 {offsets = [0, 0], sizes = [64, 64], strides = [1, 1]} : vector<128x128xf32> to vector<64x64xf32>
    %swap3A_226 = arith.constant 0 : index
    %swap3A_227 = arith.constant 512 : index
    %swap3A_228 = arith.constant 0 : index
    %swap3A_229 = vector.load %arg3[%swap3A_226, %swap3A_227, %swap3A_228] : memref<1x2944x128xf32, #tpu.memory_space<vmem>>, vector<1x64x64xf32>
    %swap3A_230 = vector.shape_cast %swap3A_229 : vector<1x64x64xf32> to vector<64x64xf32>
    %swap3A_231 = vector.shape_cast %slice3A_225 : vector<64x64xf32> to vector<1x64x64xf32>
    tpu.vector_store %arg3[%swap3A_226, %swap3A_227, %swap3A_228], %swap3A_231 {strides = array<i32>} : memref<1x2944x128xf32, #tpu.memory_space<vmem>>, vector<1x64x64xf32>,
    %slice3A_232 = vector.extract_strided_slice %add3A_224 {offsets = [64, 0], sizes = [64, 64], strides = [1, 1]} : vector<128x128xf32> to vector<64x64xf32>
    %swap3A_233 = arith.constant 0 : index
    %swap3A_234 = arith.constant 512 : index
    %swap3A_235 = arith.constant 64 : index
    %swap3A_236 = vector.load %arg3[%swap3A_233, %swap3A_234, %swap3A_235] : memref<1x2944x128xf32, #tpu.memory_space<vmem>>, vector<1x64x64xf32>
    %swap3A_237 = vector.shape_cast %swap3A_236 : vector<1x64x64xf32> to vector<64x64xf32>
    %swap3A_238 = vector.shape_cast %slice3A_232 : vector<64x64xf32> to vector<1x64x64xf32>
    tpu.vector_store %arg3[%swap3A_233, %swap3A_234, %swap3A_235], %swap3A_238 {strides = array<i32>} : memref<1x2944x128xf32, #tpu.memory_space<vmem>>, vector<1x64x64xf32>,
    %slice3A_239 = vector.extract_strided_slice %add3A_224 {offsets = [0, 64], sizes = [64, 64], strides = [1, 1]} : vector<128x128xf32> to vector<64x64xf32>
    %swap3A_240 = arith.constant 0 : index
    %swap3A_241 = arith.constant 576 : index
    %swap3A_242 = arith.constant 0 : index
    %swap3A_243 = vector.load %arg3[%swap3A_240, %swap3A_241, %swap3A_242] : memref<1x2944x128xf32, #tpu.memory_space<vmem>>, vector<1x64x64xf32>
    %swap3A_244 = vector.shape_cast %swap3A_243 : vector<1x64x64xf32> to vector<64x64xf32>
    %swap3A_245 = vector.shape_cast %slice3A_239 : vector<64x64xf32> to vector<1x64x64xf32>
    tpu.vector_store %arg3[%swap3A_240, %swap3A_241, %swap3A_242], %swap3A_245 {strides = array<i32>} : memref<1x2944x128xf32, #tpu.memory_space<vmem>>, vector<1x64x64xf32>,
    %slice3A_246 = vector.extract_strided_slice %add3A_224 {offsets = [64, 64], sizes = [64, 64], strides = [1, 1]} : vector<128x128xf32> to vector<64x64xf32>
    %swap3A_247 = arith.constant 0 : index
    %swap3A_248 = arith.constant 576 : index
    %swap3A_249 = arith.constant 64 : index
    %swap3A_250 = vector.load %arg3[%swap3A_247, %swap3A_248, %swap3A_249] : memref<1x2944x128xf32, #tpu.memory_space<vmem>>, vector<1x64x64xf32>
    %swap3A_251 = vector.shape_cast %swap3A_250 : vector<1x64x64xf32> to vector<64x64xf32>
    %swap3A_252 = vector.shape_cast %slice3A_246 : vector<64x64xf32> to vector<1x64x64xf32>
    tpu.vector_store %arg3[%swap3A_247, %swap3A_248, %swap3A_249], %swap3A_252 {strides = array<i32>} : memref<1x2944x128xf32, #tpu.memory_space<vmem>>, vector<1x64x64xf32>,
    %get3A_253 = arith.constant 0 : index
    %get3A_254 = arith.constant 0 : index
    %get3A_255 = arith.constant 1280 : index
    %get3A_256 = vector.load %arg2[%get3A_253, %get3A_254, %get3A_255] : memref<1x64x5888xf32, #tpu.memory_space<vmem>>, vector<1x64x128xf32>
    %get3A_257 = vector.shape_cast %get3A_256 : vector<1x64x128xf32> to vector<64x128xf32>
    %get3A_258 = arith.constant 0 : index
    %get3A_259 = arith.constant 0 : index
    %get3A_260 = arith.constant 1408 : index
    %get3A_261 = vector.load %arg2[%get3A_258, %get3A_259, %get3A_260] : memref<1x64x5888xf32, #tpu.memory_space<vmem>>, vector<1x64x128xf32>
    %get3A_262 = vector.shape_cast %get3A_261 : vector<1x64x128xf32> to vector<64x128xf32>
    %concatenate3A_263 = tpu.concatenate %get3A_257, %get3A_262 in 0 : vector<64x128xf32>, vector<64x128xf32> -> vector<128x128xf32>
    %convert_element_type3A_264 = arith.truncf %concatenate3A_263 : vector<128x128xf32> to vector<128x128xbf16>
    %convert_element_type3A_265 = arith.extf %convert_element_type3A_264 : vector<128x128xbf16> to vector<128x128xf32>
    %sub3A_266 = arith.subf %concatenate3A_263, %convert_element_type3A_265 : vector<128x128xf32>
    %convert_element_type3A_267 = arith.truncf %sub3A_266 : vector<128x128xf32> to vector<128x128xbf16>
    %convert_element_type3A_268 = arith.truncf %convert_element_type3A_12 : vector<128x128xf32> to vector<128x128xbf16>
    %dot_general3A_269 = arith.constant dense<0.000000e+00> : vector<128x128xf32>
    %dot_general3A_270 = tpu.matmul %convert_element_type3A_268, %convert_element_type3A_264, %dot_general3A_269 {dimension_numbers = #tpu.dot_dimension_numbers<[1], [1], [0], [0], [0, 0, 1, 0], [], []>, transpose_lhs_hint = false} : vector<128x128xbf16>, vector<128x128xbf16>, vector<128x128xf32> -> vector<128x128xf32>
    %dot_general3A_271 = arith.constant dense<0.000000e+00> : vector<128x128xf32>
    %dot_general3A_272 = tpu.matmul %convert_element_type3A_268, %convert_element_type3A_267, %dot_general3A_271 {dimension_numbers = #tpu.dot_dimension_numbers<[1], [1], [0], [0], [0, 0, 1, 0], [], []>, transpose_lhs_hint = false} : vector<128x128xbf16>, vector<128x128xbf16>, vector<128x128xf32> -> vector<128x128xf32>
    %add3A_273 = arith.addf %dot_general3A_270, %dot_general3A_272 : vector<128x128xf32>
    %slice3A_274 = vector.extract_strided_slice %add3A_273 {offsets = [0, 0], sizes = [64, 64], strides = [1, 1]} : vector<128x128xf32> to vector<64x64xf32>
    %swap3A_275 = arith.constant 0 : index
    %swap3A_276 = arith.constant 640 : index
    %swap3A_277 = arith.constant 0 : index
    %swap3A_278 = vector.load %arg3[%swap3A_275, %swap3A_276, %swap3A_277] : memref<1x2944x128xf32, #tpu.memory_space<vmem>>, vector<1x64x64xf32>
    %swap3A_279 = vector.shape_cast %swap3A_278 : vector<1x64x64xf32> to vector<64x64xf32>
    %swap3A_280 = vector.shape_cast %slice3A_274 : vector<64x64xf32> to vector<1x64x64xf32>
    tpu.vector_store %arg3[%swap3A_275, %swap3A_276, %swap3A_277], %swap3A_280 {strides = array<i32>} : memref<1x2944x128xf32, #tpu.memory_space<vmem>>, vector<1x64x64xf32>,
    %slice3A_281 = vector.extract_strided_slice %add3A_273 {offsets = [64, 0], sizes = [64, 64], strides = [1, 1]} : vector<128x128xf32> to vector<64x64xf32>
    %swap3A_282 = arith.constant 0 : index
    %swap3A_283 = arith.constant 640 : index
    %swap3A_284 = arith.constant 64 : index
    %swap3A_285 = vector.load %arg3[%swap3A_282, %swap3A_283, %swap3A_284] : memref<1x2944x128xf32, #tpu.memory_space<vmem>>, vector<1x64x64xf32>
    %swap3A_286 = vector.shape_cast %swap3A_285 : vector<1x64x64xf32> to vector<64x64xf32>
    %swap3A_287 = vector.shape_cast %slice3A_281 : vector<64x64xf32> to vector<1x64x64xf32>
    tpu.vector_store %arg3[%swap3A_282, %swap3A_283, %swap3A_284], %swap3A_287 {strides = array<i32>} : memref<1x2944x128xf32, #tpu.memory_space<vmem>>, vector<1x64x64xf32>,
    %slice3A_288 = vector.extract_strided_slice %add3A_273 {offsets = [0, 64], sizes = [64, 64], strides = [1, 1]} : vector<128x128xf32> to vector<64x64xf32>
    %swap3A_289 = arith.constant 0 : index
    %swap3A_290 = arith.constant 704 : index
    %swap3A_291 = arith.constant 0 : index
    %swap3A_292 = vector.load %arg3[%swap3A_289, %swap3A_290, %swap3A_291] : memref<1x2944x128xf32, #tpu.memory_space<vmem>>, vector<1x64x64xf32>
    %swap3A_293 = vector.shape_cast %swap3A_292 : vector<1x64x64xf32> to vector<64x64xf32>
    %swap3A_294 = vector.shape_cast %slice3A_288 : vector<64x64xf32> to vector<1x64x64xf32>
    tpu.vector_store %arg3[%swap3A_289, %swap3A_290, %swap3A_291], %swap3A_294 {strides = array<i32>} : memref<1x2944x128xf32, #tpu.memory_space<vmem>>, vector<1x64x64xf32>,
    %slice3A_295 = vector.extract_strided_slice %add3A_273 {offsets = [64, 64], sizes = [64, 64], strides = [1, 1]} : vector<128x128xf32> to vector<64x64xf32>
    %swap3A_296 = arith.constant 0 : index
    %swap3A_297 = arith.constant 704 : index
    %swap3A_298 = arith.constant 64 : index
    %swap3A_299 = vector.load %arg3[%swap3A_296, %swap3A_297, %swap3A_298] : memref<1x2944x128xf32, #tpu.memory_space<vmem>>, vector<1x64x64xf32>
    %swap3A_300 = vector.shape_cast %swap3A_299 : vector<1x64x64xf32> to vector<64x64xf32>
    %swap3A_301 = vector.shape_cast %slice3A_295 : vector<64x64xf32> to vector<1x64x64xf32>
    tpu.vector_store %arg3[%swap3A_296, %swap3A_297, %swap3A_298], %swap3A_301 {strides = array<i32>} : memref<1x2944x128xf32, #tpu.memory_space<vmem>>, vector<1x64x64xf32>,
    %get3A_302 = arith.constant 0 : index
    %get3A_303 = arith.constant 0 : index
    %get3A_304 = arith.constant 1536 : index
    %get3A_305 = vector.load %arg2[%get3A_302, %get3A_303, %get3A_304] : memref<1x64x5888xf32, #tpu.memory_space<vmem>>, vector<1x64x128xf32>
    %get3A_306 = vector.shape_cast %get3A_305 : vector<1x64x128xf32> to vector<64x128xf32>
    %get3A_307 = arith.constant 0 : index
    %get3A_308 = arith.constant 0 : index
    %get3A_309 = arith.constant 1664 : index
    %get3A_310 = vector.load %arg2[%get3A_307, %get3A_308, %get3A_309] : memref<1x64x5888xf32, #tpu.memory_space<vmem>>, vector<1x64x128xf32>
    %get3A_311 = vector.shape_cast %get3A_310 : vector<1x64x128xf32> to vector<64x128xf32>
    %concatenate3A_312 = tpu.concatenate %get3A_306, %get3A_311 in 0 : vector<64x128xf32>, vector<64x128xf32> -> vector<128x128xf32>
    %convert_element_type3A_313 = arith.truncf %concatenate3A_312 : vector<128x128xf32> to vector<128x128xbf16>
    %convert_element_type3A_314 = arith.extf %convert_element_type3A_313 : vector<128x128xbf16> to vector<128x128xf32>
    %sub3A_315 = arith.subf %concatenate3A_312, %convert_element_type3A_314 : vector<128x128xf32>
    %convert_element_type3A_316 = arith.truncf %sub3A_315 : vector<128x128xf32> to vector<128x128xbf16>
    %convert_element_type3A_317 = arith.truncf %convert_element_type3A_12 : vector<128x128xf32> to vector<128x128xbf16>
    %dot_general3A_318 = arith.constant dense<0.000000e+00> : vector<128x128xf32>
    %dot_general3A_319 = tpu.matmul %convert_element_type3A_317, %convert_element_type3A_313, %dot_general3A_318 {dimension_numbers = #tpu.dot_dimension_numbers<[1], [1], [0], [0], [0, 0, 1, 0], [], []>, transpose_lhs_hint = false} : vector<128x128xbf16>, vector<128x128xbf16>, vector<128x128xf32> -> vector<128x128xf32>
    %dot_general3A_320 = arith.constant dense<0.000000e+00> : vector<128x128xf32>
    %dot_general3A_321 = tpu.matmul %convert_element_type3A_317, %convert_element_type3A_316, %dot_general3A_320 {dimension_numbers = #tpu.dot_dimension_numbers<[1], [1], [0], [0], [0, 0, 1, 0], [], []>, transpose_lhs_hint = false} : vector<128x128xbf16>, vector<128x128xbf16>, vector<128x128xf32> -> vector<128x128xf32>
    %add3A_322 = arith.addf %dot_general3A_319, %dot_general3A_321 : vector<128x128xf32>
    %slice3A_323 = vector.extract_strided_slice %add3A_322 {offsets = [0, 0], sizes = [64, 64], strides = [1, 1]} : vector<128x128xf32> to vector<64x64xf32>
    %swap3A_324 = arith.constant 0 : index
    %swap3A_325 = arith.constant 768 : index
    %swap3A_326 = arith.constant 0 : index
    %swap3A_327 = vector.load %arg3[%swap3A_324, %swap3A_325, %swap3A_326] : memref<1x2944x128xf32, #tpu.memory_space<vmem>>, vector<1x64x64xf32>
    %swap3A_328 = vector.shape_cast %swap3A_327 : vector<1x64x64xf32> to vector<64x64xf32>
    %swap3A_329 = vector.shape_cast %slice3A_323 : vector<64x64xf32> to vector<1x64x64xf32>
    tpu.vector_store %arg3[%swap3A_324, %swap3A_325, %swap3A_326], %swap3A_329 {strides = array<i32>} : memref<1x2944x128xf32, #tpu.memory_space<vmem>>, vector<1x64x64xf32>,
    %slice3A_330 = vector.extract_strided_slice %add3A_322 {offsets = [64, 0], sizes = [64, 64], strides = [1, 1]} : vector<128x128xf32> to vector<64x64xf32>
    %swap3A_331 = arith.constant 0 : index
    %swap3A_332 = arith.constant 768 : index
    %swap3A_333 = arith.constant 64 : index
    %swap3A_334 = vector.load %arg3[%swap3A_331, %swap3A_332, %swap3A_333] : memref<1x2944x128xf32, #tpu.memory_space<vmem>>, vector<1x64x64xf32>
    %swap3A_335 = vector.shape_cast %swap3A_334 : vector<1x64x64xf32> to vector<64x64xf32>
    %swap3A_336 = vector.shape_cast %slice3A_330 : vector<64x64xf32> to vector<1x64x64xf32>
    tpu.vector_store %arg3[%swap3A_331, %swap3A_332, %swap3A_333], %swap3A_336 {strides = array<i32>} : memref<1x2944x128xf32, #tpu.memory_space<vmem>>, vector<1x64x64xf32>,
    %slice3A_337 = vector.extract_strided_slice %add3A_322 {offsets = [0, 64], sizes = [64, 64], strides = [1, 1]} : vector<128x128xf32> to vector<64x64xf32>
    %swap3A_338 = arith.constant 0 : index
    %swap3A_339 = arith.constant 832 : index
    %swap3A_340 = arith.constant 0 : index
    %swap3A_341 = vector.load %arg3[%swap3A_338, %swap3A_339, %swap3A_340] : memref<1x2944x128xf32, #tpu.memory_space<vmem>>, vector<1x64x64xf32>
    %swap3A_342 = vector.shape_cast %swap3A_341 : vector<1x64x64xf32> to vector<64x64xf32>
    %swap3A_343 = vector.shape_cast %slice3A_337 : vector<64x64xf32> to vector<1x64x64xf32>
    tpu.vector_store %arg3[%swap3A_338, %swap3A_339, %swap3A_340], %swap3A_343 {strides = array<i32>} : memref<1x2944x128xf32, #tpu.memory_space<vmem>>, vector<1x64x64xf32>,
    %slice3A_344 = vector.extract_strided_slice %add3A_322 {offsets = [64, 64], sizes = [64, 64], strides = [1, 1]} : vector<128x128xf32> to vector<64x64xf32>
    %swap3A_345 = arith.constant 0 : index
    %swap3A_346 = arith.constant 832 : index
    %swap3A_347 = arith.constant 64 : index
    %swap3A_348 = vector.load %arg3[%swap3A_345, %swap3A_346, %swap3A_347] : memref<1x2944x128xf32, #tpu.memory_space<vmem>>, vector<1x64x64xf32>
    %swap3A_349 = vector.shape_cast %swap3A_348 : vector<1x64x64xf32> to vector<64x64xf32>
    %swap3A_350 = vector.shape_cast %slice3A_344 : vector<64x64xf32> to vector<1x64x64xf32>
    tpu.vector_store %arg3[%swap3A_345, %swap3A_346, %swap3A_347], %swap3A_350 {strides = array<i32>} : memref<1x2944x128xf32, #tpu.memory_space<vmem>>, vector<1x64x64xf32>,
    %get3A_351 = arith.constant 0 : index
    %get3A_352 = arith.constant 0 : index
    %get3A_353 = arith.constant 1792 : index
    %get3A_354 = vector.load %arg2[%get3A_351, %get3A_352, %get3A_353] : memref<1x64x5888xf32, #tpu.memory_space<vmem>>, vector<1x64x128xf32>
    %get3A_355 = vector.shape_cast %get3A_354 : vector<1x64x128xf32> to vector<64x128xf32>
    %get3A_356 = arith.constant 0 : index
    %get3A_357 = arith.constant 0 : index
    %get3A_358 = arith.constant 1920 : index
    %get3A_359 = vector.load %arg2[%get3A_356, %get3A_357, %get3A_358] : memref<1x64x5888xf32, #tpu.memory_space<vmem>>, vector<1x64x128xf32>
    %get3A_360 = vector.shape_cast %get3A_359 : vector<1x64x128xf32> to vector<64x128xf32>
    %concatenate3A_361 = tpu.concatenate %get3A_355, %get3A_360 in 0 : vector<64x128xf32>, vector<64x128xf32> -> vector<128x128xf32>
    %convert_element_type3A_362 = arith.truncf %concatenate3A_361 : vector<128x128xf32> to vector<128x128xbf16>
    %convert_element_type3A_363 = arith.extf %convert_element_type3A_362 : vector<128x128xbf16> to vector<128x128xf32>
    %sub3A_364 = arith.subf %concatenate3A_361, %convert_element_type3A_363 : vector<128x128xf32>
    %convert_element_type3A_365 = arith.truncf %sub3A_364 : vector<128x128xf32> to vector<128x128xbf16>
    %convert_element_type3A_366 = arith.truncf %convert_element_type3A_12 : vector<128x128xf32> to vector<128x128xbf16>
    %dot_general3A_367 = arith.constant dense<0.000000e+00> : vector<128x128xf32>
    %dot_general3A_368 = tpu.matmul %convert_element_type3A_366, %convert_element_type3A_362, %dot_general3A_367 {dimension_numbers = #tpu.dot_dimension_numbers<[1], [1], [0], [0], [0, 0, 1, 0], [], []>, transpose_lhs_hint = false} : vector<128x128xbf16>, vector<128x128xbf16>, vector<128x128xf32> -> vector<128x128xf32>
    %dot_general3A_369 = arith.constant dense<0.000000e+00> : vector<128x128xf32>
    %dot_general3A_370 = tpu.matmul %convert_element_type3A_366, %convert_element_type3A_365, %dot_general3A_369 {dimension_numbers = #tpu.dot_dimension_numbers<[1], [1], [0], [0], [0, 0, 1, 0], [], []>, transpose_lhs_hint = false} : vector<128x128xbf16>, vector<128x128xbf16>, vector<128x128xf32> -> vector<128x128xf32>
    %add3A_371 = arith.addf %dot_general3A_368, %dot_general3A_370 : vector<128x128xf32>
    %slice3A_372 = vector.extract_strided_slice %add3A_371 {offsets = [0, 0], sizes = [64, 64], strides = [1, 1]} : vector<128x128xf32> to vector<64x64xf32>
    %swap3A_373 = arith.constant 0 : index
    %swap3A_374 = arith.constant 896 : index
    %swap3A_375 = arith.constant 0 : index
    %swap3A_376 = vector.load %arg3[%swap3A_373, %swap3A_374, %swap3A_375] : memref<1x2944x128xf32, #tpu.memory_space<vmem>>, vector<1x64x64xf32>
    %swap3A_377 = vector.shape_cast %swap3A_376 : vector<1x64x64xf32> to vector<64x64xf32>
    %swap3A_378 = vector.shape_cast %slice3A_372 : vector<64x64xf32> to vector<1x64x64xf32>
    tpu.vector_store %arg3[%swap3A_373, %swap3A_374, %swap3A_375], %swap3A_378 {strides = array<i32>} : memref<1x2944x128xf32, #tpu.memory_space<vmem>>, vector<1x64x64xf32>,
    %slice3A_379 = vector.extract_strided_slice %add3A_371 {offsets = [64, 0], sizes = [64, 64], strides = [1, 1]} : vector<128x128xf32> to vector<64x64xf32>
    %swap3A_380 = arith.constant 0 : index
    %swap3A_381 = arith.constant 896 : index
    %swap3A_382 = arith.constant 64 : index
    %swap3A_383 = vector.load %arg3[%swap3A_380, %swap3A_381, %swap3A_382] : memref<1x2944x128xf32, #tpu.memory_space<vmem>>, vector<1x64x64xf32>
    %swap3A_384 = vector.shape_cast %swap3A_383 : vector<1x64x64xf32> to vector<64x64xf32>
    %swap3A_385 = vector.shape_cast %slice3A_379 : vector<64x64xf32> to vector<1x64x64xf32>
    tpu.vector_store %arg3[%swap3A_380, %swap3A_381, %swap3A_382], %swap3A_385 {strides = array<i32>} : memref<1x2944x128xf32, #tpu.memory_space<vmem>>, vector<1x64x64xf32>,
    %slice3A_386 = vector.extract_strided_slice %add3A_371 {offsets = [0, 64], sizes = [64, 64], strides = [1, 1]} : vector<128x128xf32> to vector<64x64xf32>
    %swap3A_387 = arith.constant 0 : index
    %swap3A_388 = arith.constant 960 : index
    %swap3A_389 = arith.constant 0 : index
    %swap3A_390 = vector.load %arg3[%swap3A_387, %swap3A_388, %swap3A_389] : memref<1x2944x128xf32, #tpu.memory_space<vmem>>, vector<1x64x64xf32>
    %swap3A_391 = vector.shape_cast %swap3A_390 : vector<1x64x64xf32> to vector<64x64xf32>
    %swap3A_392 = vector.shape_cast %slice3A_386 : vector<64x64xf32> to vector<1x64x64xf32>
    tpu.vector_store %arg3[%swap3A_387, %swap3A_388, %swap3A_389], %swap3A_392 {strides = array<i32>} : memref<1x2944x128xf32, #tpu.memory_space<vmem>>, vector<1x64x64xf32>,
    %slice3A_393 = vector.extract_strided_slice %add3A_371 {offsets = [64, 64], sizes = [64, 64], strides = [1, 1]} : vector<128x128xf32> to vector<64x64xf32>
    %swap3A_394 = arith.constant 0 : index
    %swap3A_395 = arith.constant 960 : index
    %swap3A_396 = arith.constant 64 : index
    %swap3A_397 = vector.load %arg3[%swap3A_394, %swap3A_395, %swap3A_396] : memref<1x2944x128xf32, #tpu.memory_space<vmem>>, vector<1x64x64xf32>
    %swap3A_398 = vector.shape_cast %swap3A_397 : vector<1x64x64xf32> to vector<64x64xf32>
    %swap3A_399 = vector.shape_cast %slice3A_393 : vector<64x64xf32> to vector<1x64x64xf32>
    tpu.vector_store %arg3[%swap3A_394, %swap3A_395, %swap3A_396], %swap3A_399 {strides = array<i32>} : memref<1x2944x128xf32, #tpu.memory_space<vmem>>, vector<1x64x64xf32>,
    %get3A_400 = arith.constant 0 : index
    %get3A_401 = arith.constant 0 : index
    %get3A_402 = arith.constant 2048 : index
    %get3A_403 = vector.load %arg2[%get3A_400, %get3A_401, %get3A_402] : memref<1x64x5888xf32, #tpu.memory_space<vmem>>, vector<1x64x128xf32>
    %get3A_404 = vector.shape_cast %get3A_403 : vector<1x64x128xf32> to vector<64x128xf32>
    %get3A_405 = arith.constant 0 : index
    %get3A_406 = arith.constant 0 : index
    %get3A_407 = arith.constant 2176 : index
    %get3A_408 = vector.load %arg2[%get3A_405, %get3A_406, %get3A_407] : memref<1x64x5888xf32, #tpu.memory_space<vmem>>, vector<1x64x128xf32>
    %get3A_409 = vector.shape_cast %get3A_408 : vector<1x64x128xf32> to vector<64x128xf32>
    %concatenate3A_410 = tpu.concatenate %get3A_404, %get3A_409 in 0 : vector<64x128xf32>, vector<64x128xf32> -> vector<128x128xf32>
    %convert_element_type3A_411 = arith.truncf %concatenate3A_410 : vector<128x128xf32> to vector<128x128xbf16>
    %convert_element_type3A_412 = arith.extf %convert_element_type3A_411 : vector<128x128xbf16> to vector<128x128xf32>
    %sub3A_413 = arith.subf %concatenate3A_410, %convert_element_type3A_412 : vector<128x128xf32>
    %convert_element_type3A_414 = arith.truncf %sub3A_413 : vector<128x128xf32> to vector<128x128xbf16>
    %convert_element_type3A_415 = arith.truncf %convert_element_type3A_12 : vector<128x128xf32> to vector<128x128xbf16>
    %dot_general3A_416 = arith.constant dense<0.000000e+00> : vector<128x128xf32>
    %dot_general3A_417 = tpu.matmul %convert_element_type3A_415, %convert_element_type3A_411, %dot_general3A_416 {dimension_numbers = #tpu.dot_dimension_numbers<[1], [1], [0], [0], [0, 0, 1, 0], [], []>, transpose_lhs_hint = false} : vector<128x128xbf16>, vector<128x128xbf16>, vector<128x128xf32> -> vector<128x128xf32>
    %dot_general3A_418 = arith.constant dense<0.000000e+00> : vector<128x128xf32>
    %dot_general3A_419 = tpu.matmul %convert_element_type3A_415, %convert_element_type3A_414, %dot_general3A_418 {dimension_numbers = #tpu.dot_dimension_numbers<[1], [1], [0], [0], [0, 0, 1, 0], [], []>, transpose_lhs_hint = false} : vector<128x128xbf16>, vector<128x128xbf16>, vector<128x128xf32> -> vector<128x128xf32>
    %add3A_420 = arith.addf %dot_general3A_417, %dot_general3A_419 : vector<128x128xf32>
    %slice3A_421 = vector.extract_strided_slice %add3A_420 {offsets = [0, 0], sizes = [64, 64], strides = [1, 1]} : vector<128x128xf32> to vector<64x64xf32>
    %swap3A_422 = arith.constant 0 : index
    %swap3A_423 = arith.constant 1024 : index
    %swap3A_424 = arith.constant 0 : index
    %swap3A_425 = vector.load %arg3[%swap3A_422, %swap3A_423, %swap3A_424] : memref<1x2944x128xf32, #tpu.memory_space<vmem>>, vector<1x64x64xf32>
    %swap3A_426 = vector.shape_cast %swap3A_425 : vector<1x64x64xf32> to vector<64x64xf32>
    %swap3A_427 = vector.shape_cast %slice3A_421 : vector<64x64xf32> to vector<1x64x64xf32>
    tpu.vector_store %arg3[%swap3A_422, %swap3A_423, %swap3A_424], %swap3A_427 {strides = array<i32>} : memref<1x2944x128xf32, #tpu.memory_space<vmem>>, vector<1x64x64xf32>,
    %slice3A_428 = vector.extract_strided_slice %add3A_420 {offsets = [64, 0], sizes = [64, 64], strides = [1, 1]} : vector<128x128xf32> to vector<64x64xf32>
    %swap3A_429 = arith.constant 0 : index
    %swap3A_430 = arith.constant 1024 : index
    %swap3A_431 = arith.constant 64 : index
    %swap3A_432 = vector.load %arg3[%swap3A_429, %swap3A_430, %swap3A_431] : memref<1x2944x128xf32, #tpu.memory_space<vmem>>, vector<1x64x64xf32>
    %swap3A_433 = vector.shape_cast %swap3A_432 : vector<1x64x64xf32> to vector<64x64xf32>
    %swap3A_434 = vector.shape_cast %slice3A_428 : vector<64x64xf32> to vector<1x64x64xf32>
    tpu.vector_store %arg3[%swap3A_429, %swap3A_430, %swap3A_431], %swap3A_434 {strides = array<i32>} : memref<1x2944x128xf32, #tpu.memory_space<vmem>>, vector<1x64x64xf32>,
    %slice3A_435 = vector.extract_strided_slice %add3A_420 {offsets = [0, 64], sizes = [64, 64], strides = [1, 1]} : vector<128x128xf32> to vector<64x64xf32>
    %swap3A_436 = arith.constant 0 : index
    %swap3A_437 = arith.constant 1088 : index
    %swap3A_438 = arith.constant 0 : index
    %swap3A_439 = vector.load %arg3[%swap3A_436, %swap3A_437, %swap3A_438] : memref<1x2944x128xf32, #tpu.memory_space<vmem>>, vector<1x64x64xf32>
    %swap3A_440 = vector.shape_cast %swap3A_439 : vector<1x64x64xf32> to vector<64x64xf32>
    %swap3A_441 = vector.shape_cast %slice3A_435 : vector<64x64xf32> to vector<1x64x64xf32>
    tpu.vector_store %arg3[%swap3A_436, %swap3A_437, %swap3A_438], %swap3A_441 {strides = array<i32>} : memref<1x2944x128xf32, #tpu.memory_space<vmem>>, vector<1x64x64xf32>,
    %slice3A_442 = vector.extract_strided_slice %add3A_420 {offsets = [64, 64], sizes = [64, 64], strides = [1, 1]} : vector<128x128xf32> to vector<64x64xf32>
    %swap3A_443 = arith.constant 0 : index
    %swap3A_444 = arith.constant 1088 : index
    %swap3A_445 = arith.constant 64 : index
    %swap3A_446 = vector.load %arg3[%swap3A_443, %swap3A_444, %swap3A_445] : memref<1x2944x128xf32, #tpu.memory_space<vmem>>, vector<1x64x64xf32>
    %swap3A_447 = vector.shape_cast %swap3A_446 : vector<1x64x64xf32> to vector<64x64xf32>
    %swap3A_448 = vector.shape_cast %slice3A_442 : vector<64x64xf32> to vector<1x64x64xf32>
    tpu.vector_store %arg3[%swap3A_443, %swap3A_444, %swap3A_445], %swap3A_448 {strides = array<i32>} : memref<1x2944x128xf32, #tpu.memory_space<vmem>>, vector<1x64x64xf32>,
    %get3A_449 = arith.constant 0 : index
    %get3A_450 = arith.constant 0 : index
    %get3A_451 = arith.constant 2304 : index
    %get3A_452 = vector.load %arg2[%get3A_449, %get3A_450, %get3A_451] : memref<1x64x5888xf32, #tpu.memory_space<vmem>>, vector<1x64x128xf32>
    %get3A_453 = vector.shape_cast %get3A_452 : vector<1x64x128xf32> to vector<64x128xf32>
    %get3A_454 = arith.constant 0 : index
    %get3A_455 = arith.constant 0 : index
    %get3A_456 = arith.constant 2432 : index
    %get3A_457 = vector.load %arg2[%get3A_454, %get3A_455, %get3A_456] : memref<1x64x5888xf32, #tpu.memory_space<vmem>>, vector<1x64x128xf32>
    %get3A_458 = vector.shape_cast %get3A_457 : vector<1x64x128xf32> to vector<64x128xf32>
    %concatenate3A_459 = tpu.concatenate %get3A_453, %get3A_458 in 0 : vector<64x128xf32>, vector<64x128xf32> -> vector<128x128xf32>
    %convert_element_type3A_460 = arith.truncf %concatenate3A_459 : vector<128x128xf32> to vector<128x128xbf16>
    %convert_element_type3A_461 = arith.extf %convert_element_type3A_460 : vector<128x128xbf16> to vector<128x128xf32>
    %sub3A_462 = arith.subf %concatenate3A_459, %convert_element_type3A_461 : vector<128x128xf32>
    %convert_element_type3A_463 = arith.truncf %sub3A_462 : vector<128x128xf32> to vector<128x128xbf16>
    %convert_element_type3A_464 = arith.truncf %convert_element_type3A_12 : vector<128x128xf32> to vector<128x128xbf16>
    %dot_general3A_465 = arith.constant dense<0.000000e+00> : vector<128x128xf32>
    %dot_general3A_466 = tpu.matmul %convert_element_type3A_464, %convert_element_type3A_460, %dot_general3A_465 {dimension_numbers = #tpu.dot_dimension_numbers<[1], [1], [0], [0], [0, 0, 1, 0], [], []>, transpose_lhs_hint = false} : vector<128x128xbf16>, vector<128x128xbf16>, vector<128x128xf32> -> vector<128x128xf32>
    %dot_general3A_467 = arith.constant dense<0.000000e+00> : vector<128x128xf32>
    %dot_general3A_468 = tpu.matmul %convert_element_type3A_464, %convert_element_type3A_463, %dot_general3A_467 {dimension_numbers = #tpu.dot_dimension_numbers<[1], [1], [0], [0], [0, 0, 1, 0], [], []>, transpose_lhs_hint = false} : vector<128x128xbf16>, vector<128x128xbf16>, vector<128x128xf32> -> vector<128x128xf32>
    %add3A_469 = arith.addf %dot_general3A_466, %dot_general3A_468 : vector<128x128xf32>
    %slice3A_470 = vector.extract_strided_slice %add3A_469 {offsets = [0, 0], sizes = [64, 64], strides = [1, 1]} : vector<128x128xf32> to vector<64x64xf32>
    %swap3A_471 = arith.constant 0 : index
    %swap3A_472 = arith.constant 1152 : index
    %swap3A_473 = arith.constant 0 : index
    %swap3A_474 = vector.load %arg3[%swap3A_471, %swap3A_472, %swap3A_473] : memref<1x2944x128xf32, #tpu.memory_space<vmem>>, vector<1x64x64xf32>
    %swap3A_475 = vector.shape_cast %swap3A_474 : vector<1x64x64xf32> to vector<64x64xf32>
    %swap3A_476 = vector.shape_cast %slice3A_470 : vector<64x64xf32> to vector<1x64x64xf32>
    tpu.vector_store %arg3[%swap3A_471, %swap3A_472, %swap3A_473], %swap3A_476 {strides = array<i32>} : memref<1x2944x128xf32, #tpu.memory_space<vmem>>, vector<1x64x64xf32>,
    %slice3A_477 = vector.extract_strided_slice %add3A_469 {offsets = [64, 0], sizes = [64, 64], strides = [1, 1]} : vector<128x128xf32> to vector<64x64xf32>
    %swap3A_478 = arith.constant 0 : index
    %swap3A_479 = arith.constant 1152 : index
    %swap3A_480 = arith.constant 64 : index
    %swap3A_481 = vector.load %arg3[%swap3A_478, %swap3A_479, %swap3A_480] : memref<1x2944x128xf32, #tpu.memory_space<vmem>>, vector<1x64x64xf32>
    %swap3A_482 = vector.shape_cast %swap3A_481 : vector<1x64x64xf32> to vector<64x64xf32>
    %swap3A_483 = vector.shape_cast %slice3A_477 : vector<64x64xf32> to vector<1x64x64xf32>
    tpu.vector_store %arg3[%swap3A_478, %swap3A_479, %swap3A_480], %swap3A_483 {strides = array<i32>} : memref<1x2944x128xf32, #tpu.memory_space<vmem>>, vector<1x64x64xf32>,
    %slice3A_484 = vector.extract_strided_slice %add3A_469 {offsets = [0, 64], sizes = [64, 64], strides = [1, 1]} : vector<128x128xf32> to vector<64x64xf32>
    %swap3A_485 = arith.constant 0 : index
    %swap3A_486 = arith.constant 1216 : index
    %swap3A_487 = arith.constant 0 : index
    %swap3A_488 = vector.load %arg3[%swap3A_485, %swap3A_486, %swap3A_487] : memref<1x2944x128xf32, #tpu.memory_space<vmem>>, vector<1x64x64xf32>
    %swap3A_489 = vector.shape_cast %swap3A_488 : vector<1x64x64xf32> to vector<64x64xf32>
    %swap3A_490 = vector.shape_cast %slice3A_484 : vector<64x64xf32> to vector<1x64x64xf32>
    tpu.vector_store %arg3[%swap3A_485, %swap3A_486, %swap3A_487], %swap3A_490 {strides = array<i32>} : memref<1x2944x128xf32, #tpu.memory_space<vmem>>, vector<1x64x64xf32>,
    %slice3A_491 = vector.extract_strided_slice %add3A_469 {offsets = [64, 64], sizes = [64, 64], strides = [1, 1]} : vector<128x128xf32> to vector<64x64xf32>
    %swap3A_492 = arith.constant 0 : index
    %swap3A_493 = arith.constant 1216 : index
    %swap3A_494 = arith.constant 64 : index
    %swap3A_495 = vector.load %arg3[%swap3A_492, %swap3A_493, %swap3A_494] : memref<1x2944x128xf32, #tpu.memory_space<vmem>>, vector<1x64x64xf32>
    %swap3A_496 = vector.shape_cast %swap3A_495 : vector<1x64x64xf32> to vector<64x64xf32>
    %swap3A_497 = vector.shape_cast %slice3A_491 : vector<64x64xf32> to vector<1x64x64xf32>
    tpu.vector_store %arg3[%swap3A_492, %swap3A_493, %swap3A_494], %swap3A_497 {strides = array<i32>} : memref<1x2944x128xf32, #tpu.memory_space<vmem>>, vector<1x64x64xf32>,
    %get3A_498 = arith.constant 0 : index
    %get3A_499 = arith.constant 0 : index
    %get3A_500 = arith.constant 2560 : index
    %get3A_501 = vector.load %arg2[%get3A_498, %get3A_499, %get3A_500] : memref<1x64x5888xf32, #tpu.memory_space<vmem>>, vector<1x64x128xf32>
    %get3A_502 = vector.shape_cast %get3A_501 : vector<1x64x128xf32> to vector<64x128xf32>
    %get3A_503 = arith.constant 0 : index
    %get3A_504 = arith.constant 0 : index
    %get3A_505 = arith.constant 2688 : index
    %get3A_506 = vector.load %arg2[%get3A_503, %get3A_504, %get3A_505] : memref<1x64x5888xf32, #tpu.memory_space<vmem>>, vector<1x64x128xf32>
    %get3A_507 = vector.shape_cast %get3A_506 : vector<1x64x128xf32> to vector<64x128xf32>
    %concatenate3A_508 = tpu.concatenate %get3A_502, %get3A_507 in 0 : vector<64x128xf32>, vector<64x128xf32> -> vector<128x128xf32>
    %convert_element_type3A_509 = arith.truncf %concatenate3A_508 : vector<128x128xf32> to vector<128x128xbf16>
    %convert_element_type3A_510 = arith.extf %convert_element_type3A_509 : vector<128x128xbf16> to vector<128x128xf32>
    %sub3A_511 = arith.subf %concatenate3A_508, %convert_element_type3A_510 : vector<128x128xf32>
    %convert_element_type3A_512 = arith.truncf %sub3A_511 : vector<128x128xf32> to vector<128x128xbf16>
    %convert_element_type3A_513 = arith.truncf %convert_element_type3A_12 : vector<128x128xf32> to vector<128x128xbf16>
    %dot_general3A_514 = arith.constant dense<0.000000e+00> : vector<128x128xf32>
    %dot_general3A_515 = tpu.matmul %convert_element_type3A_513, %convert_element_type3A_509, %dot_general3A_514 {dimension_numbers = #tpu.dot_dimension_numbers<[1], [1], [0], [0], [0, 0, 1, 0], [], []>, transpose_lhs_hint = false} : vector<128x128xbf16>, vector<128x128xbf16>, vector<128x128xf32> -> vector<128x128xf32>
    %dot_general3A_516 = arith.constant dense<0.000000e+00> : vector<128x128xf32>
    %dot_general3A_517 = tpu.matmul %convert_element_type3A_513, %convert_element_type3A_512, %dot_general3A_516 {dimension_numbers = #tpu.dot_dimension_numbers<[1], [1], [0], [0], [0, 0, 1, 0], [], []>, transpose_lhs_hint = false} : vector<128x128xbf16>, vector<128x128xbf16>, vector<128x128xf32> -> vector<128x128xf32>
    %add3A_518 = arith.addf %dot_general3A_515, %dot_general3A_517 : vector<128x128xf32>
    %slice3A_519 = vector.extract_strided_slice %add3A_518 {offsets = [0, 0], sizes = [64, 64], strides = [1, 1]} : vector<128x128xf32> to vector<64x64xf32>
    %swap3A_520 = arith.constant 0 : index
    %swap3A_521 = arith.constant 1280 : index
    %swap3A_522 = arith.constant 0 : index
    %swap3A_523 = vector.load %arg3[%swap3A_520, %swap3A_521, %swap3A_522] : memref<1x2944x128xf32, #tpu.memory_space<vmem>>, vector<1x64x64xf32>
    %swap3A_524 = vector.shape_cast %swap3A_523 : vector<1x64x64xf32> to vector<64x64xf32>
    %swap3A_525 = vector.shape_cast %slice3A_519 : vector<64x64xf32> to vector<1x64x64xf32>
    tpu.vector_store %arg3[%swap3A_520, %swap3A_521, %swap3A_522], %swap3A_525 {strides = array<i32>} : memref<1x2944x128xf32, #tpu.memory_space<vmem>>, vector<1x64x64xf32>,
    %slice3A_526 = vector.extract_strided_slice %add3A_518 {offsets = [64, 0], sizes = [64, 64], strides = [1, 1]} : vector<128x128xf32> to vector<64x64xf32>
    %swap3A_527 = arith.constant 0 : index
    %swap3A_528 = arith.constant 1280 : index
    %swap3A_529 = arith.constant 64 : index
    %swap3A_530 = vector.load %arg3[%swap3A_527, %swap3A_528, %swap3A_529] : memref<1x2944x128xf32, #tpu.memory_space<vmem>>, vector<1x64x64xf32>
    %swap3A_531 = vector.shape_cast %swap3A_530 : vector<1x64x64xf32> to vector<64x64xf32>
    %swap3A_532 = vector.shape_cast %slice3A_526 : vector<64x64xf32> to vector<1x64x64xf32>
    tpu.vector_store %arg3[%swap3A_527, %swap3A_528, %swap3A_529], %swap3A_532 {strides = array<i32>} : memref<1x2944x128xf32, #tpu.memory_space<vmem>>, vector<1x64x64xf32>,
    %slice3A_533 = vector.extract_strided_slice %add3A_518 {offsets = [0, 64], sizes = [64, 64], strides = [1, 1]} : vector<128x128xf32> to vector<64x64xf32>
    %swap3A_534 = arith.constant 0 : index
    %swap3A_535 = arith.constant 1344 : index
    %swap3A_536 = arith.constant 0 : index
    %swap3A_537 = vector.load %arg3[%swap3A_534, %swap3A_535, %swap3A_536] : memref<1x2944x128xf32, #tpu.memory_space<vmem>>, vector<1x64x64xf32>
    %swap3A_538 = vector.shape_cast %swap3A_537 : vector<1x64x64xf32> to vector<64x64xf32>
    %swap3A_539 = vector.shape_cast %slice3A_533 : vector<64x64xf32> to vector<1x64x64xf32>
    tpu.vector_store %arg3[%swap3A_534, %swap3A_535, %swap3A_536], %swap3A_539 {strides = array<i32>} : memref<1x2944x128xf32, #tpu.memory_space<vmem>>, vector<1x64x64xf32>,
    %slice3A_540 = vector.extract_strided_slice %add3A_518 {offsets = [64, 64], sizes = [64, 64], strides = [1, 1]} : vector<128x128xf32> to vector<64x64xf32>
    %swap3A_541 = arith.constant 0 : index
    %swap3A_542 = arith.constant 1344 : index
    %swap3A_543 = arith.constant 64 : index
    %swap3A_544 = vector.load %arg3[%swap3A_541, %swap3A_542, %swap3A_543] : memref<1x2944x128xf32, #tpu.memory_space<vmem>>, vector<1x64x64xf32>
    %swap3A_545 = vector.shape_cast %swap3A_544 : vector<1x64x64xf32> to vector<64x64xf32>
    %swap3A_546 = vector.shape_cast %slice3A_540 : vector<64x64xf32> to vector<1x64x64xf32>
    tpu.vector_store %arg3[%swap3A_541, %swap3A_542, %swap3A_543], %swap3A_546 {strides = array<i32>} : memref<1x2944x128xf32, #tpu.memory_space<vmem>>, vector<1x64x64xf32>,
    %get3A_547 = arith.constant 0 : index
    %get3A_548 = arith.constant 0 : index
    %get3A_549 = arith.constant 2816 : index
    %get3A_550 = vector.load %arg2[%get3A_547, %get3A_548, %get3A_549] : memref<1x64x5888xf32, #tpu.memory_space<vmem>>, vector<1x64x128xf32>
    %get3A_551 = vector.shape_cast %get3A_550 : vector<1x64x128xf32> to vector<64x128xf32>
    %get3A_552 = arith.constant 0 : index
    %get3A_553 = arith.constant 0 : index
    %get3A_554 = arith.constant 2944 : index
    %get3A_555 = vector.load %arg2[%get3A_552, %get3A_553, %get3A_554] : memref<1x64x5888xf32, #tpu.memory_space<vmem>>, vector<1x64x128xf32>
    %get3A_556 = vector.shape_cast %get3A_555 : vector<1x64x128xf32> to vector<64x128xf32>
    %concatenate3A_557 = tpu.concatenate %get3A_551, %get3A_556 in 0 : vector<64x128xf32>, vector<64x128xf32> -> vector<128x128xf32>
    %convert_element_type3A_558 = arith.truncf %concatenate3A_557 : vector<128x128xf32> to vector<128x128xbf16>
    %convert_element_type3A_559 = arith.extf %convert_element_type3A_558 : vector<128x128xbf16> to vector<128x128xf32>
    %sub3A_560 = arith.subf %concatenate3A_557, %convert_element_type3A_559 : vector<128x128xf32>
    %convert_element_type3A_561 = arith.truncf %sub3A_560 : vector<128x128xf32> to vector<128x128xbf16>
    %convert_element_type3A_562 = arith.truncf %convert_element_type3A_12 : vector<128x128xf32> to vector<128x128xbf16>
    %dot_general3A_563 = arith.constant dense<0.000000e+00> : vector<128x128xf32>
    %dot_general3A_564 = tpu.matmul %convert_element_type3A_562, %convert_element_type3A_558, %dot_general3A_563 {dimension_numbers = #tpu.dot_dimension_numbers<[1], [1], [0], [0], [0, 0, 1, 0], [], []>, transpose_lhs_hint = false} : vector<128x128xbf16>, vector<128x128xbf16>, vector<128x128xf32> -> vector<128x128xf32>
    %dot_general3A_565 = arith.constant dense<0.000000e+00> : vector<128x128xf32>
    %dot_general3A_566 = tpu.matmul %convert_element_type3A_562, %convert_element_type3A_561, %dot_general3A_565 {dimension_numbers = #tpu.dot_dimension_numbers<[1], [1], [0], [0], [0, 0, 1, 0], [], []>, transpose_lhs_hint = false} : vector<128x128xbf16>, vector<128x128xbf16>, vector<128x128xf32> -> vector<128x128xf32>
    %add3A_567 = arith.addf %dot_general3A_564, %dot_general3A_566 : vector<128x128xf32>
    %slice3A_568 = vector.extract_strided_slice %add3A_567 {offsets = [0, 0], sizes = [64, 64], strides = [1, 1]} : vector<128x128xf32> to vector<64x64xf32>
    %swap3A_569 = arith.constant 0 : index
    %swap3A_570 = arith.constant 1408 : index
    %swap3A_571 = arith.constant 0 : index
    %swap3A_572 = vector.load %arg3[%swap3A_569, %swap3A_570, %swap3A_571] : memref<1x2944x128xf32, #tpu.memory_space<vmem>>, vector<1x64x64xf32>
    %swap3A_573 = vector.shape_cast %swap3A_572 : vector<1x64x64xf32> to vector<64x64xf32>
    %swap3A_574 = vector.shape_cast %slice3A_568 : vector<64x64xf32> to vector<1x64x64xf32>
    tpu.vector_store %arg3[%swap3A_569, %swap3A_570, %swap3A_571], %swap3A_574 {strides = array<i32>} : memref<1x2944x128xf32, #tpu.memory_space<vmem>>, vector<1x64x64xf32>,
    %slice3A_575 = vector.extract_strided_slice %add3A_567 {offsets = [64, 0], sizes = [64, 64], strides = [1, 1]} : vector<128x128xf32> to vector<64x64xf32>
    %swap3A_576 = arith.constant 0 : index
    %swap3A_577 = arith.constant 1408 : index
    %swap3A_578 = arith.constant 64 : index
    %swap3A_579 = vector.load %arg3[%swap3A_576, %swap3A_577, %swap3A_578] : memref<1x2944x128xf32, #tpu.memory_space<vmem>>, vector<1x64x64xf32>
    %swap3A_580 = vector.shape_cast %swap3A_579 : vector<1x64x64xf32> to vector<64x64xf32>
    %swap3A_581 = vector.shape_cast %slice3A_575 : vector<64x64xf32> to vector<1x64x64xf32>
    tpu.vector_store %arg3[%swap3A_576, %swap3A_577, %swap3A_578], %swap3A_581 {strides = array<i32>} : memref<1x2944x128xf32, #tpu.memory_space<vmem>>, vector<1x64x64xf32>,
    %slice3A_582 = vector.extract_strided_slice %add3A_567 {offsets = [0, 64], sizes = [64, 64], strides = [1, 1]} : vector<128x128xf32> to vector<64x64xf32>
    %swap3A_583 = arith.constant 0 : index
    %swap3A_584 = arith.constant 1472 : index
    %swap3A_585 = arith.constant 0 : index
    %swap3A_586 = vector.load %arg3[%swap3A_583, %swap3A_584, %swap3A_585] : memref<1x2944x128xf32, #tpu.memory_space<vmem>>, vector<1x64x64xf32>
    %swap3A_587 = vector.shape_cast %swap3A_586 : vector<1x64x64xf32> to vector<64x64xf32>
    %swap3A_588 = vector.shape_cast %slice3A_582 : vector<64x64xf32> to vector<1x64x64xf32>
    tpu.vector_store %arg3[%swap3A_583, %swap3A_584, %swap3A_585], %swap3A_588 {strides = array<i32>} : memref<1x2944x128xf32, #tpu.memory_space<vmem>>, vector<1x64x64xf32>,
    %slice3A_589 = vector.extract_strided_slice %add3A_567 {offsets = [64, 64], sizes = [64, 64], strides = [1, 1]} : vector<128x128xf32> to vector<64x64xf32>
    %swap3A_590 = arith.constant 0 : index
    %swap3A_591 = arith.constant 1472 : index
    %swap3A_592 = arith.constant 64 : index
    %swap3A_593 = vector.load %arg3[%swap3A_590, %swap3A_591, %swap3A_592] : memref<1x2944x128xf32, #tpu.memory_space<vmem>>, vector<1x64x64xf32>
    %swap3A_594 = vector.shape_cast %swap3A_593 : vector<1x64x64xf32> to vector<64x64xf32>
    %swap3A_595 = vector.shape_cast %slice3A_589 : vector<64x64xf32> to vector<1x64x64xf32>
    tpu.vector_store %arg3[%swap3A_590, %swap3A_591, %swap3A_592], %swap3A_595 {strides = array<i32>} : memref<1x2944x128xf32, #tpu.memory_space<vmem>>, vector<1x64x64xf32>,
    %get3A_596 = arith.constant 0 : index
    %get3A_597 = arith.constant 0 : index
    %get3A_598 = arith.constant 3072 : index
    %get3A_599 = vector.load %arg2[%get3A_596, %get3A_597, %get3A_598] : memref<1x64x5888xf32, #tpu.memory_space<vmem>>, vector<1x64x128xf32>
    %get3A_600 = vector.shape_cast %get3A_599 : vector<1x64x128xf32> to vector<64x128xf32>
    %get3A_601 = arith.constant 0 : index
    %get3A_602 = arith.constant 0 : index
    %get3A_603 = arith.constant 3200 : index
    %get3A_604 = vector.load %arg2[%get3A_601, %get3A_602, %get3A_603] : memref<1x64x5888xf32, #tpu.memory_space<vmem>>, vector<1x64x128xf32>
    %get3A_605 = vector.shape_cast %get3A_604 : vector<1x64x128xf32> to vector<64x128xf32>
    %concatenate3A_606 = tpu.concatenate %get3A_600, %get3A_605 in 0 : vector<64x128xf32>, vector<64x128xf32> -> vector<128x128xf32>
    %convert_element_type3A_607 = arith.truncf %concatenate3A_606 : vector<128x128xf32> to vector<128x128xbf16>
    %convert_element_type3A_608 = arith.extf %convert_element_type3A_607 : vector<128x128xbf16> to vector<128x128xf32>
    %sub3A_609 = arith.subf %concatenate3A_606, %convert_element_type3A_608 : vector<128x128xf32>
    %convert_element_type3A_610 = arith.truncf %sub3A_609 : vector<128x128xf32> to vector<128x128xbf16>
    %convert_element_type3A_611 = arith.truncf %convert_element_type3A_12 : vector<128x128xf32> to vector<128x128xbf16>
    %dot_general3A_612 = arith.constant dense<0.000000e+00> : vector<128x128xf32>
    %dot_general3A_613 = tpu.matmul %convert_element_type3A_611, %convert_element_type3A_607, %dot_general3A_612 {dimension_numbers = #tpu.dot_dimension_numbers<[1], [1], [0], [0], [0, 0, 1, 0], [], []>, transpose_lhs_hint = false} : vector<128x128xbf16>, vector<128x128xbf16>, vector<128x128xf32> -> vector<128x128xf32>
    %dot_general3A_614 = arith.constant dense<0.000000e+00> : vector<128x128xf32>
    %dot_general3A_615 = tpu.matmul %convert_element_type3A_611, %convert_element_type3A_610, %dot_general3A_614 {dimension_numbers = #tpu.dot_dimension_numbers<[1], [1], [0], [0], [0, 0, 1, 0], [], []>, transpose_lhs_hint = false} : vector<128x128xbf16>, vector<128x128xbf16>, vector<128x128xf32> -> vector<128x128xf32>
    %add3A_616 = arith.addf %dot_general3A_613, %dot_general3A_615 : vector<128x128xf32>
    %slice3A_617 = vector.extract_strided_slice %add3A_616 {offsets = [0, 0], sizes = [64, 64], strides = [1, 1]} : vector<128x128xf32> to vector<64x64xf32>
    %swap3A_618 = arith.constant 0 : index
    %swap3A_619 = arith.constant 1536 : index
    %swap3A_620 = arith.constant 0 : index
    %swap3A_621 = vector.load %arg3[%swap3A_618, %swap3A_619, %swap3A_620] : memref<1x2944x128xf32, #tpu.memory_space<vmem>>, vector<1x64x64xf32>
    %swap3A_622 = vector.shape_cast %swap3A_621 : vector<1x64x64xf32> to vector<64x64xf32>
    %swap3A_623 = vector.shape_cast %slice3A_617 : vector<64x64xf32> to vector<1x64x64xf32>
    tpu.vector_store %arg3[%swap3A_618, %swap3A_619, %swap3A_620], %swap3A_623 {strides = array<i32>} : memref<1x2944x128xf32, #tpu.memory_space<vmem>>, vector<1x64x64xf32>,
    %slice3A_624 = vector.extract_strided_slice %add3A_616 {offsets = [64, 0], sizes = [64, 64], strides = [1, 1]} : vector<128x128xf32> to vector<64x64xf32>
    %swap3A_625 = arith.constant 0 : index
    %swap3A_626 = arith.constant 1536 : index
    %swap3A_627 = arith.constant 64 : index
    %swap3A_628 = vector.load %arg3[%swap3A_625, %swap3A_626, %swap3A_627] : memref<1x2944x128xf32, #tpu.memory_space<vmem>>, vector<1x64x64xf32>
    %swap3A_629 = vector.shape_cast %swap3A_628 : vector<1x64x64xf32> to vector<64x64xf32>
    %swap3A_630 = vector.shape_cast %slice3A_624 : vector<64x64xf32> to vector<1x64x64xf32>
    tpu.vector_store %arg3[%swap3A_625, %swap3A_626, %swap3A_627], %swap3A_630 {strides = array<i32>} : memref<1x2944x128xf32, #tpu.memory_space<vmem>>, vector<1x64x64xf32>,
    %slice3A_631 = vector.extract_strided_slice %add3A_616 {offsets = [0, 64], sizes = [64, 64], strides = [1, 1]} : vector<128x128xf32> to vector<64x64xf32>
    %swap3A_632 = arith.constant 0 : index
    %swap3A_633 = arith.constant 1600 : index
    %swap3A_634 = arith.constant 0 : index
    %swap3A_635 = vector.load %arg3[%swap3A_632, %swap3A_633, %swap3A_634] : memref<1x2944x128xf32, #tpu.memory_space<vmem>>, vector<1x64x64xf32>
    %swap3A_636 = vector.shape_cast %swap3A_635 : vector<1x64x64xf32> to vector<64x64xf32>
    %swap3A_637 = vector.shape_cast %slice3A_631 : vector<64x64xf32> to vector<1x64x64xf32>
    tpu.vector_store %arg3[%swap3A_632, %swap3A_633, %swap3A_634], %swap3A_637 {strides = array<i32>} : memref<1x2944x128xf32, #tpu.memory_space<vmem>>, vector<1x64x64xf32>,
    %slice3A_638 = vector.extract_strided_slice %add3A_616 {offsets = [64, 64], sizes = [64, 64], strides = [1, 1]} : vector<128x128xf32> to vector<64x64xf32>
    %swap3A_639 = arith.constant 0 : index
    %swap3A_640 = arith.constant 1600 : index
    %swap3A_641 = arith.constant 64 : index
    %swap3A_642 = vector.load %arg3[%swap3A_639, %swap3A_640, %swap3A_641] : memref<1x2944x128xf32, #tpu.memory_space<vmem>>, vector<1x64x64xf32>
    %swap3A_643 = vector.shape_cast %swap3A_642 : vector<1x64x64xf32> to vector<64x64xf32>
    %swap3A_644 = vector.shape_cast %slice3A_638 : vector<64x64xf32> to vector<1x64x64xf32>
    tpu.vector_store %arg3[%swap3A_639, %swap3A_640, %swap3A_641], %swap3A_644 {strides = array<i32>} : memref<1x2944x128xf32, #tpu.memory_space<vmem>>, vector<1x64x64xf32>,
    %get3A_645 = arith.constant 0 : index
    %get3A_646 = arith.constant 0 : index
    %get3A_647 = arith.constant 3328 : index
    %get3A_648 = vector.load %arg2[%get3A_645, %get3A_646, %get3A_647] : memref<1x64x5888xf32, #tpu.memory_space<vmem>>, vector<1x64x128xf32>
    %get3A_649 = vector.shape_cast %get3A_648 : vector<1x64x128xf32> to vector<64x128xf32>
    %get3A_650 = arith.constant 0 : index
    %get3A_651 = arith.constant 0 : index
    %get3A_652 = arith.constant 3456 : index
    %get3A_653 = vector.load %arg2[%get3A_650, %get3A_651, %get3A_652] : memref<1x64x5888xf32, #tpu.memory_space<vmem>>, vector<1x64x128xf32>
    %get3A_654 = vector.shape_cast %get3A_653 : vector<1x64x128xf32> to vector<64x128xf32>
    %concatenate3A_655 = tpu.concatenate %get3A_649, %get3A_654 in 0 : vector<64x128xf32>, vector<64x128xf32> -> vector<128x128xf32>
    %convert_element_type3A_656 = arith.truncf %concatenate3A_655 : vector<128x128xf32> to vector<128x128xbf16>
    %convert_element_type3A_657 = arith.extf %convert_element_type3A_656 : vector<128x128xbf16> to vector<128x128xf32>
    %sub3A_658 = arith.subf %concatenate3A_655, %convert_element_type3A_657 : vector<128x128xf32>
    %convert_element_type3A_659 = arith.truncf %sub3A_658 : vector<128x128xf32> to vector<128x128xbf16>
    %convert_element_type3A_660 = arith.truncf %convert_element_type3A_12 : vector<128x128xf32> to vector<128x128xbf16>
    %dot_general3A_661 = arith.constant dense<0.000000e+00> : vector<128x128xf32>
    %dot_general3A_662 = tpu.matmul %convert_element_type3A_660, %convert_element_type3A_656, %dot_general3A_661 {dimension_numbers = #tpu.dot_dimension_numbers<[1], [1], [0], [0], [0, 0, 1, 0], [], []>, transpose_lhs_hint = false} : vector<128x128xbf16>, vector<128x128xbf16>, vector<128x128xf32> -> vector<128x128xf32>
    %dot_general3A_663 = arith.constant dense<0.000000e+00> : vector<128x128xf32>
    %dot_general3A_664 = tpu.matmul %convert_element_type3A_660, %convert_element_type3A_659, %dot_general3A_663 {dimension_numbers = #tpu.dot_dimension_numbers<[1], [1], [0], [0], [0, 0, 1, 0], [], []>, transpose_lhs_hint = false} : vector<128x128xbf16>, vector<128x128xbf16>, vector<128x128xf32> -> vector<128x128xf32>
    %add3A_665 = arith.addf %dot_general3A_662, %dot_general3A_664 : vector<128x128xf32>
    %slice3A_666 = vector.extract_strided_slice %add3A_665 {offsets = [0, 0], sizes = [64, 64], strides = [1, 1]} : vector<128x128xf32> to vector<64x64xf32>
    %swap3A_667 = arith.constant 0 : index
    %swap3A_668 = arith.constant 1664 : index
    %swap3A_669 = arith.constant 0 : index
    %swap3A_670 = vector.load %arg3[%swap3A_667, %swap3A_668, %swap3A_669] : memref<1x2944x128xf32, #tpu.memory_space<vmem>>, vector<1x64x64xf32>
    %swap3A_671 = vector.shape_cast %swap3A_670 : vector<1x64x64xf32> to vector<64x64xf32>
    %swap3A_672 = vector.shape_cast %slice3A_666 : vector<64x64xf32> to vector<1x64x64xf32>
    tpu.vector_store %arg3[%swap3A_667, %swap3A_668, %swap3A_669], %swap3A_672 {strides = array<i32>} : memref<1x2944x128xf32, #tpu.memory_space<vmem>>, vector<1x64x64xf32>,
    %slice3A_673 = vector.extract_strided_slice %add3A_665 {offsets = [64, 0], sizes = [64, 64], strides = [1, 1]} : vector<128x128xf32> to vector<64x64xf32>
    %swap3A_674 = arith.constant 0 : index
    %swap3A_675 = arith.constant 1664 : index
    %swap3A_676 = arith.constant 64 : index
    %swap3A_677 = vector.load %arg3[%swap3A_674, %swap3A_675, %swap3A_676] : memref<1x2944x128xf32, #tpu.memory_space<vmem>>, vector<1x64x64xf32>
    %swap3A_678 = vector.shape_cast %swap3A_677 : vector<1x64x64xf32> to vector<64x64xf32>
    %swap3A_679 = vector.shape_cast %slice3A_673 : vector<64x64xf32> to vector<1x64x64xf32>
    tpu.vector_store %arg3[%swap3A_674, %swap3A_675, %swap3A_676], %swap3A_679 {strides = array<i32>} : memref<1x2944x128xf32, #tpu.memory_space<vmem>>, vector<1x64x64xf32>,
    %slice3A_680 = vector.extract_strided_slice %add3A_665 {offsets = [0, 64], sizes = [64, 64], strides = [1, 1]} : vector<128x128xf32> to vector<64x64xf32>
    %swap3A_681 = arith.constant 0 : index
    %swap3A_682 = arith.constant 1728 : index
    %swap3A_683 = arith.constant 0 : index
    %swap3A_684 = vector.load %arg3[%swap3A_681, %swap3A_682, %swap3A_683] : memref<1x2944x128xf32, #tpu.memory_space<vmem>>, vector<1x64x64xf32>
    %swap3A_685 = vector.shape_cast %swap3A_684 : vector<1x64x64xf32> to vector<64x64xf32>
    %swap3A_686 = vector.shape_cast %slice3A_680 : vector<64x64xf32> to vector<1x64x64xf32>
    tpu.vector_store %arg3[%swap3A_681, %swap3A_682, %swap3A_683], %swap3A_686 {strides = array<i32>} : memref<1x2944x128xf32, #tpu.memory_space<vmem>>, vector<1x64x64xf32>,
    %slice3A_687 = vector.extract_strided_slice %add3A_665 {offsets = [64, 64], sizes = [64, 64], strides = [1, 1]} : vector<128x128xf32> to vector<64x64xf32>
    %swap3A_688 = arith.constant 0 : index
    %swap3A_689 = arith.constant 1728 : index
    %swap3A_690 = arith.constant 64 : index
    %swap3A_691 = vector.load %arg3[%swap3A_688, %swap3A_689, %swap3A_690] : memref<1x2944x128xf32, #tpu.memory_space<vmem>>, vector<1x64x64xf32>
    %swap3A_692 = vector.shape_cast %swap3A_691 : vector<1x64x64xf32> to vector<64x64xf32>
    %swap3A_693 = vector.shape_cast %slice3A_687 : vector<64x64xf32> to vector<1x64x64xf32>
    tpu.vector_store %arg3[%swap3A_688, %swap3A_689, %swap3A_690], %swap3A_693 {strides = array<i32>} : memref<1x2944x128xf32, #tpu.memory_space<vmem>>, vector<1x64x64xf32>,
    %get3A_694 = arith.constant 0 : index
    %get3A_695 = arith.constant 0 : index
    %get3A_696 = arith.constant 3584 : index
    %get3A_697 = vector.load %arg2[%get3A_694, %get3A_695, %get3A_696] : memref<1x64x5888xf32, #tpu.memory_space<vmem>>, vector<1x64x128xf32>
    %get3A_698 = vector.shape_cast %get3A_697 : vector<1x64x128xf32> to vector<64x128xf32>
    %get3A_699 = arith.constant 0 : index
    %get3A_700 = arith.constant 0 : index
    %get3A_701 = arith.constant 3712 : index
    %get3A_702 = vector.load %arg2[%get3A_699, %get3A_700, %get3A_701] : memref<1x64x5888xf32, #tpu.memory_space<vmem>>, vector<1x64x128xf32>
    %get3A_703 = vector.shape_cast %get3A_702 : vector<1x64x128xf32> to vector<64x128xf32>
    %concatenate3A_704 = tpu.concatenate %get3A_698, %get3A_703 in 0 : vector<64x128xf32>, vector<64x128xf32> -> vector<128x128xf32>
    %convert_element_type3A_705 = arith.truncf %concatenate3A_704 : vector<128x128xf32> to vector<128x128xbf16>
    %convert_element_type3A_706 = arith.extf %convert_element_type3A_705 : vector<128x128xbf16> to vector<128x128xf32>
    %sub3A_707 = arith.subf %concatenate3A_704, %convert_element_type3A_706 : vector<128x128xf32>
    %convert_element_type3A_708 = arith.truncf %sub3A_707 : vector<128x128xf32> to vector<128x128xbf16>
    %convert_element_type3A_709 = arith.truncf %convert_element_type3A_12 : vector<128x128xf32> to vector<128x128xbf16>
    %dot_general3A_710 = arith.constant dense<0.000000e+00> : vector<128x128xf32>
    %dot_general3A_711 = tpu.matmul %convert_element_type3A_709, %convert_element_type3A_705, %dot_general3A_710 {dimension_numbers = #tpu.dot_dimension_numbers<[1], [1], [0], [0], [0, 0, 1, 0], [], []>, transpose_lhs_hint = false} : vector<128x128xbf16>, vector<128x128xbf16>, vector<128x128xf32> -> vector<128x128xf32>
    %dot_general3A_712 = arith.constant dense<0.000000e+00> : vector<128x128xf32>
    %dot_general3A_713 = tpu.matmul %convert_element_type3A_709, %convert_element_type3A_708, %dot_general3A_712 {dimension_numbers = #tpu.dot_dimension_numbers<[1], [1], [0], [0], [0, 0, 1, 0], [], []>, transpose_lhs_hint = false} : vector<128x128xbf16>, vector<128x128xbf16>, vector<128x128xf32> -> vector<128x128xf32>
    %add3A_714 = arith.addf %dot_general3A_711, %dot_general3A_713 : vector<128x128xf32>
    %slice3A_715 = vector.extract_strided_slice %add3A_714 {offsets = [0, 0], sizes = [64, 64], strides = [1, 1]} : vector<128x128xf32> to vector<64x64xf32>
    %swap3A_716 = arith.constant 0 : index
    %swap3A_717 = arith.constant 1792 : index
    %swap3A_718 = arith.constant 0 : index
    %swap3A_719 = vector.load %arg3[%swap3A_716, %swap3A_717, %swap3A_718] : memref<1x2944x128xf32, #tpu.memory_space<vmem>>, vector<1x64x64xf32>
    %swap3A_720 = vector.shape_cast %swap3A_719 : vector<1x64x64xf32> to vector<64x64xf32>
    %swap3A_721 = vector.shape_cast %slice3A_715 : vector<64x64xf32> to vector<1x64x64xf32>
    tpu.vector_store %arg3[%swap3A_716, %swap3A_717, %swap3A_718], %swap3A_721 {strides = array<i32>} : memref<1x2944x128xf32, #tpu.memory_space<vmem>>, vector<1x64x64xf32>,
    %slice3A_722 = vector.extract_strided_slice %add3A_714 {offsets = [64, 0], sizes = [64, 64], strides = [1, 1]} : vector<128x128xf32> to vector<64x64xf32>
    %swap3A_723 = arith.constant 0 : index
    %swap3A_724 = arith.constant 1792 : index
    %swap3A_725 = arith.constant 64 : index
    %swap3A_726 = vector.load %arg3[%swap3A_723, %swap3A_724, %swap3A_725] : memref<1x2944x128xf32, #tpu.memory_space<vmem>>, vector<1x64x64xf32>
    %swap3A_727 = vector.shape_cast %swap3A_726 : vector<1x64x64xf32> to vector<64x64xf32>
    %swap3A_728 = vector.shape_cast %slice3A_722 : vector<64x64xf32> to vector<1x64x64xf32>
    tpu.vector_store %arg3[%swap3A_723, %swap3A_724, %swap3A_725], %swap3A_728 {strides = array<i32>} : memref<1x2944x128xf32, #tpu.memory_space<vmem>>, vector<1x64x64xf32>,
    %slice3A_729 = vector.extract_strided_slice %add3A_714 {offsets = [0, 64], sizes = [64, 64], strides = [1, 1]} : vector<128x128xf32> to vector<64x64xf32>
    %swap3A_730 = arith.constant 0 : index
    %swap3A_731 = arith.constant 1856 : index
    %swap3A_732 = arith.constant 0 : index
    %swap3A_733 = vector.load %arg3[%swap3A_730, %swap3A_731, %swap3A_732] : memref<1x2944x128xf32, #tpu.memory_space<vmem>>, vector<1x64x64xf32>
    %swap3A_734 = vector.shape_cast %swap3A_733 : vector<1x64x64xf32> to vector<64x64xf32>
    %swap3A_735 = vector.shape_cast %slice3A_729 : vector<64x64xf32> to vector<1x64x64xf32>
    tpu.vector_store %arg3[%swap3A_730, %swap3A_731, %swap3A_732], %swap3A_735 {strides = array<i32>} : memref<1x2944x128xf32, #tpu.memory_space<vmem>>, vector<1x64x64xf32>,
    %slice3A_736 = vector.extract_strided_slice %add3A_714 {offsets = [64, 64], sizes = [64, 64], strides = [1, 1]} : vector<128x128xf32> to vector<64x64xf32>
    %swap3A_737 = arith.constant 0 : index
    %swap3A_738 = arith.constant 1856 : index
    %swap3A_739 = arith.constant 64 : index
    %swap3A_740 = vector.load %arg3[%swap3A_737, %swap3A_738, %swap3A_739] : memref<1x2944x128xf32, #tpu.memory_space<vmem>>, vector<1x64x64xf32>
    %swap3A_741 = vector.shape_cast %swap3A_740 : vector<1x64x64xf32> to vector<64x64xf32>
    %swap3A_742 = vector.shape_cast %slice3A_736 : vector<64x64xf32> to vector<1x64x64xf32>
    tpu.vector_store %arg3[%swap3A_737, %swap3A_738, %swap3A_739], %swap3A_742 {strides = array<i32>} : memref<1x2944x128xf32, #tpu.memory_space<vmem>>, vector<1x64x64xf32>,
    %get3A_743 = arith.constant 0 : index
    %get3A_744 = arith.constant 0 : index
    %get3A_745 = arith.constant 3840 : index
    %get3A_746 = vector.load %arg2[%get3A_743, %get3A_744, %get3A_745] : memref<1x64x5888xf32, #tpu.memory_space<vmem>>, vector<1x64x128xf32>
    %get3A_747 = vector.shape_cast %get3A_746 : vector<1x64x128xf32> to vector<64x128xf32>
    %get3A_748 = arith.constant 0 : index
    %get3A_749 = arith.constant 0 : index
    %get3A_750 = arith.constant 3968 : index
    %get3A_751 = vector.load %arg2[%get3A_748, %get3A_749, %get3A_750] : memref<1x64x5888xf32, #tpu.memory_space<vmem>>, vector<1x64x128xf32>
    %get3A_752 = vector.shape_cast %get3A_751 : vector<1x64x128xf32> to vector<64x128xf32>
    %concatenate3A_753 = tpu.concatenate %get3A_747, %get3A_752 in 0 : vector<64x128xf32>, vector<64x128xf32> -> vector<128x128xf32>
    %convert_element_type3A_754 = arith.truncf %concatenate3A_753 : vector<128x128xf32> to vector<128x128xbf16>
    %convert_element_type3A_755 = arith.extf %convert_element_type3A_754 : vector<128x128xbf16> to vector<128x128xf32>
    %sub3A_756 = arith.subf %concatenate3A_753, %convert_element_type3A_755 : vector<128x128xf32>
    %convert_element_type3A_757 = arith.truncf %sub3A_756 : vector<128x128xf32> to vector<128x128xbf16>
    %convert_element_type3A_758 = arith.truncf %convert_element_type3A_12 : vector<128x128xf32> to vector<128x128xbf16>
    %dot_general3A_759 = arith.constant dense<0.000000e+00> : vector<128x128xf32>
    %dot_general3A_760 = tpu.matmul %convert_element_type3A_758, %convert_element_type3A_754, %dot_general3A_759 {dimension_numbers = #tpu.dot_dimension_numbers<[1], [1], [0], [0], [0, 0, 1, 0], [], []>, transpose_lhs_hint = false} : vector<128x128xbf16>, vector<128x128xbf16>, vector<128x128xf32> -> vector<128x128xf32>
    %dot_general3A_761 = arith.constant dense<0.000000e+00> : vector<128x128xf32>
    %dot_general3A_762 = tpu.matmul %convert_element_type3A_758, %convert_element_type3A_757, %dot_general3A_761 {dimension_numbers = #tpu.dot_dimension_numbers<[1], [1], [0], [0], [0, 0, 1, 0], [], []>, transpose_lhs_hint = false} : vector<128x128xbf16>, vector<128x128xbf16>, vector<128x128xf32> -> vector<128x128xf32>
    %add3A_763 = arith.addf %dot_general3A_760, %dot_general3A_762 : vector<128x128xf32>
    %slice3A_764 = vector.extract_strided_slice %add3A_763 {offsets = [0, 0], sizes = [64, 64], strides = [1, 1]} : vector<128x128xf32> to vector<64x64xf32>
    %swap3A_765 = arith.constant 0 : index
    %swap3A_766 = arith.constant 1920 : index
    %swap3A_767 = arith.constant 0 : index
    %swap3A_768 = vector.load %arg3[%swap3A_765, %swap3A_766, %swap3A_767] : memref<1x2944x128xf32, #tpu.memory_space<vmem>>, vector<1x64x64xf32>
    %swap3A_769 = vector.shape_cast %swap3A_768 : vector<1x64x64xf32> to vector<64x64xf32>
    %swap3A_770 = vector.shape_cast %slice3A_764 : vector<64x64xf32> to vector<1x64x64xf32>
    tpu.vector_store %arg3[%swap3A_765, %swap3A_766, %swap3A_767], %swap3A_770 {strides = array<i32>} : memref<1x2944x128xf32, #tpu.memory_space<vmem>>, vector<1x64x64xf32>,
    %slice3A_771 = vector.extract_strided_slice %add3A_763 {offsets = [64, 0], sizes = [64, 64], strides = [1, 1]} : vector<128x128xf32> to vector<64x64xf32>
    %swap3A_772 = arith.constant 0 : index
    %swap3A_773 = arith.constant 1920 : index
    %swap3A_774 = arith.constant 64 : index
    %swap3A_775 = vector.load %arg3[%swap3A_772, %swap3A_773, %swap3A_774] : memref<1x2944x128xf32, #tpu.memory_space<vmem>>, vector<1x64x64xf32>
    %swap3A_776 = vector.shape_cast %swap3A_775 : vector<1x64x64xf32> to vector<64x64xf32>
    %swap3A_777 = vector.shape_cast %slice3A_771 : vector<64x64xf32> to vector<1x64x64xf32>
    tpu.vector_store %arg3[%swap3A_772, %swap3A_773, %swap3A_774], %swap3A_777 {strides = array<i32>} : memref<1x2944x128xf32, #tpu.memory_space<vmem>>, vector<1x64x64xf32>,
    %slice3A_778 = vector.extract_strided_slice %add3A_763 {offsets = [0, 64], sizes = [64, 64], strides = [1, 1]} : vector<128x128xf32> to vector<64x64xf32>
    %swap3A_779 = arith.constant 0 : index
    %swap3A_780 = arith.constant 1984 : index
    %swap3A_781 = arith.constant 0 : index
    %swap3A_782 = vector.load %arg3[%swap3A_779, %swap3A_780, %swap3A_781] : memref<1x2944x128xf32, #tpu.memory_space<vmem>>, vector<1x64x64xf32>
    %swap3A_783 = vector.shape_cast %swap3A_782 : vector<1x64x64xf32> to vector<64x64xf32>
    %swap3A_784 = vector.shape_cast %slice3A_778 : vector<64x64xf32> to vector<1x64x64xf32>
    tpu.vector_store %arg3[%swap3A_779, %swap3A_780, %swap3A_781], %swap3A_784 {strides = array<i32>} : memref<1x2944x128xf32, #tpu.memory_space<vmem>>, vector<1x64x64xf32>,
    %slice3A_785 = vector.extract_strided_slice %add3A_763 {offsets = [64, 64], sizes = [64, 64], strides = [1, 1]} : vector<128x128xf32> to vector<64x64xf32>
    %swap3A_786 = arith.constant 0 : index
    %swap3A_787 = arith.constant 1984 : index
    %swap3A_788 = arith.constant 64 : index
    %swap3A_789 = vector.load %arg3[%swap3A_786, %swap3A_787, %swap3A_788] : memref<1x2944x128xf32, #tpu.memory_space<vmem>>, vector<1x64x64xf32>
    %swap3A_790 = vector.shape_cast %swap3A_789 : vector<1x64x64xf32> to vector<64x64xf32>
    %swap3A_791 = vector.shape_cast %slice3A_785 : vector<64x64xf32> to vector<1x64x64xf32>
    tpu.vector_store %arg3[%swap3A_786, %swap3A_787, %swap3A_788], %swap3A_791 {strides = array<i32>} : memref<1x2944x128xf32, #tpu.memory_space<vmem>>, vector<1x64x64xf32>,
    %get3A_792 = arith.constant 0 : index
    %get3A_793 = arith.constant 0 : index
    %get3A_794 = arith.constant 4096 : index
    %get3A_795 = vector.load %arg2[%get3A_792, %get3A_793, %get3A_794] : memref<1x64x5888xf32, #tpu.memory_space<vmem>>, vector<1x64x128xf32>
    %get3A_796 = vector.shape_cast %get3A_795 : vector<1x64x128xf32> to vector<64x128xf32>
    %get3A_797 = arith.constant 0 : index
    %get3A_798 = arith.constant 0 : index
    %get3A_799 = arith.constant 4224 : index
    %get3A_800 = vector.load %arg2[%get3A_797, %get3A_798, %get3A_799] : memref<1x64x5888xf32, #tpu.memory_space<vmem>>, vector<1x64x128xf32>
    %get3A_801 = vector.shape_cast %get3A_800 : vector<1x64x128xf32> to vector<64x128xf32>
    %concatenate3A_802 = tpu.concatenate %get3A_796, %get3A_801 in 0 : vector<64x128xf32>, vector<64x128xf32> -> vector<128x128xf32>
    %convert_element_type3A_803 = arith.truncf %concatenate3A_802 : vector<128x128xf32> to vector<128x128xbf16>
    %convert_element_type3A_804 = arith.extf %convert_element_type3A_803 : vector<128x128xbf16> to vector<128x128xf32>
    %sub3A_805 = arith.subf %concatenate3A_802, %convert_element_type3A_804 : vector<128x128xf32>
    %convert_element_type3A_806 = arith.truncf %sub3A_805 : vector<128x128xf32> to vector<128x128xbf16>
    %convert_element_type3A_807 = arith.truncf %convert_element_type3A_12 : vector<128x128xf32> to vector<128x128xbf16>
    %dot_general3A_808 = arith.constant dense<0.000000e+00> : vector<128x128xf32>
    %dot_general3A_809 = tpu.matmul %convert_element_type3A_807, %convert_element_type3A_803, %dot_general3A_808 {dimension_numbers = #tpu.dot_dimension_numbers<[1], [1], [0], [0], [0, 0, 1, 0], [], []>, transpose_lhs_hint = false} : vector<128x128xbf16>, vector<128x128xbf16>, vector<128x128xf32> -> vector<128x128xf32>
    %dot_general3A_810 = arith.constant dense<0.000000e+00> : vector<128x128xf32>
    %dot_general3A_811 = tpu.matmul %convert_element_type3A_807, %convert_element_type3A_806, %dot_general3A_810 {dimension_numbers = #tpu.dot_dimension_numbers<[1], [1], [0], [0], [0, 0, 1, 0], [], []>, transpose_lhs_hint = false} : vector<128x128xbf16>, vector<128x128xbf16>, vector<128x128xf32> -> vector<128x128xf32>
    %add3A_812 = arith.addf %dot_general3A_809, %dot_general3A_811 : vector<128x128xf32>
    %slice3A_813 = vector.extract_strided_slice %add3A_812 {offsets = [0, 0], sizes = [64, 64], strides = [1, 1]} : vector<128x128xf32> to vector<64x64xf32>
    %swap3A_814 = arith.constant 0 : index
    %swap3A_815 = arith.constant 2048 : index
    %swap3A_816 = arith.constant 0 : index
    %swap3A_817 = vector.load %arg3[%swap3A_814, %swap3A_815, %swap3A_816] : memref<1x2944x128xf32, #tpu.memory_space<vmem>>, vector<1x64x64xf32>
    %swap3A_818 = vector.shape_cast %swap3A_817 : vector<1x64x64xf32> to vector<64x64xf32>
    %swap3A_819 = vector.shape_cast %slice3A_813 : vector<64x64xf32> to vector<1x64x64xf32>
    tpu.vector_store %arg3[%swap3A_814, %swap3A_815, %swap3A_816], %swap3A_819 {strides = array<i32>} : memref<1x2944x128xf32, #tpu.memory_space<vmem>>, vector<1x64x64xf32>,
    %slice3A_820 = vector.extract_strided_slice %add3A_812 {offsets = [64, 0], sizes = [64, 64], strides = [1, 1]} : vector<128x128xf32> to vector<64x64xf32>
    %swap3A_821 = arith.constant 0 : index
    %swap3A_822 = arith.constant 2048 : index
    %swap3A_823 = arith.constant 64 : index
    %swap3A_824 = vector.load %arg3[%swap3A_821, %swap3A_822, %swap3A_823] : memref<1x2944x128xf32, #tpu.memory_space<vmem>>, vector<1x64x64xf32>
    %swap3A_825 = vector.shape_cast %swap3A_824 : vector<1x64x64xf32> to vector<64x64xf32>
    %swap3A_826 = vector.shape_cast %slice3A_820 : vector<64x64xf32> to vector<1x64x64xf32>
    tpu.vector_store %arg3[%swap3A_821, %swap3A_822, %swap3A_823], %swap3A_826 {strides = array<i32>} : memref<1x2944x128xf32, #tpu.memory_space<vmem>>, vector<1x64x64xf32>,
    %slice3A_827 = vector.extract_strided_slice %add3A_812 {offsets = [0, 64], sizes = [64, 64], strides = [1, 1]} : vector<128x128xf32> to vector<64x64xf32>
    %swap3A_828 = arith.constant 0 : index
    %swap3A_829 = arith.constant 2112 : index
    %swap3A_830 = arith.constant 0 : index
    %swap3A_831 = vector.load %arg3[%swap3A_828, %swap3A_829, %swap3A_830] : memref<1x2944x128xf32, #tpu.memory_space<vmem>>, vector<1x64x64xf32>
    %swap3A_832 = vector.shape_cast %swap3A_831 : vector<1x64x64xf32> to vector<64x64xf32>
    %swap3A_833 = vector.shape_cast %slice3A_827 : vector<64x64xf32> to vector<1x64x64xf32>
    tpu.vector_store %arg3[%swap3A_828, %swap3A_829, %swap3A_830], %swap3A_833 {strides = array<i32>} : memref<1x2944x128xf32, #tpu.memory_space<vmem>>, vector<1x64x64xf32>,
    %slice3A_834 = vector.extract_strided_slice %add3A_812 {offsets = [64, 64], sizes = [64, 64], strides = [1, 1]} : vector<128x128xf32> to vector<64x64xf32>
    %swap3A_835 = arith.constant 0 : index
    %swap3A_836 = arith.constant 2112 : index
    %swap3A_837 = arith.constant 64 : index
    %swap3A_838 = vector.load %arg3[%swap3A_835, %swap3A_836, %swap3A_837] : memref<1x2944x128xf32, #tpu.memory_space<vmem>>, vector<1x64x64xf32>
    %swap3A_839 = vector.shape_cast %swap3A_838 : vector<1x64x64xf32> to vector<64x64xf32>
    %swap3A_840 = vector.shape_cast %slice3A_834 : vector<64x64xf32> to vector<1x64x64xf32>
    tpu.vector_store %arg3[%swap3A_835, %swap3A_836, %swap3A_837], %swap3A_840 {strides = array<i32>} : memref<1x2944x128xf32, #tpu.memory_space<vmem>>, vector<1x64x64xf32>,
    %get3A_841 = arith.constant 0 : index
    %get3A_842 = arith.constant 0 : index
    %get3A_843 = arith.constant 4352 : index
    %get3A_844 = vector.load %arg2[%get3A_841, %get3A_842, %get3A_843] : memref<1x64x5888xf32, #tpu.memory_space<vmem>>, vector<1x64x128xf32>
    %get3A_845 = vector.shape_cast %get3A_844 : vector<1x64x128xf32> to vector<64x128xf32>
    %get3A_846 = arith.constant 0 : index
    %get3A_847 = arith.constant 0 : index
    %get3A_848 = arith.constant 4480 : index
    %get3A_849 = vector.load %arg2[%get3A_846, %get3A_847, %get3A_848] : memref<1x64x5888xf32, #tpu.memory_space<vmem>>, vector<1x64x128xf32>
    %get3A_850 = vector.shape_cast %get3A_849 : vector<1x64x128xf32> to vector<64x128xf32>
    %concatenate3A_851 = tpu.concatenate %get3A_845, %get3A_850 in 0 : vector<64x128xf32>, vector<64x128xf32> -> vector<128x128xf32>
    %convert_element_type3A_852 = arith.truncf %concatenate3A_851 : vector<128x128xf32> to vector<128x128xbf16>
    %convert_element_type3A_853 = arith.extf %convert_element_type3A_852 : vector<128x128xbf16> to vector<128x128xf32>
    %sub3A_854 = arith.subf %concatenate3A_851, %convert_element_type3A_853 : vector<128x128xf32>
    %convert_element_type3A_855 = arith.truncf %sub3A_854 : vector<128x128xf32> to vector<128x128xbf16>
    %convert_element_type3A_856 = arith.truncf %convert_element_type3A_12 : vector<128x128xf32> to vector<128x128xbf16>
    %dot_general3A_857 = arith.constant dense<0.000000e+00> : vector<128x128xf32>
    %dot_general3A_858 = tpu.matmul %convert_element_type3A_856, %convert_element_type3A_852, %dot_general3A_857 {dimension_numbers = #tpu.dot_dimension_numbers<[1], [1], [0], [0], [0, 0, 1, 0], [], []>, transpose_lhs_hint = false} : vector<128x128xbf16>, vector<128x128xbf16>, vector<128x128xf32> -> vector<128x128xf32>
    %dot_general3A_859 = arith.constant dense<0.000000e+00> : vector<128x128xf32>
    %dot_general3A_860 = tpu.matmul %convert_element_type3A_856, %convert_element_type3A_855, %dot_general3A_859 {dimension_numbers = #tpu.dot_dimension_numbers<[1], [1], [0], [0], [0, 0, 1, 0], [], []>, transpose_lhs_hint = false} : vector<128x128xbf16>, vector<128x128xbf16>, vector<128x128xf32> -> vector<128x128xf32>
    %add3A_861 = arith.addf %dot_general3A_858, %dot_general3A_860 : vector<128x128xf32>
    %slice3A_862 = vector.extract_strided_slice %add3A_861 {offsets = [0, 0], sizes = [64, 64], strides = [1, 1]} : vector<128x128xf32> to vector<64x64xf32>
    %swap3A_863 = arith.constant 0 : index
    %swap3A_864 = arith.constant 2176 : index
    %swap3A_865 = arith.constant 0 : index
    %swap3A_866 = vector.load %arg3[%swap3A_863, %swap3A_864, %swap3A_865] : memref<1x2944x128xf32, #tpu.memory_space<vmem>>, vector<1x64x64xf32>
    %swap3A_867 = vector.shape_cast %swap3A_866 : vector<1x64x64xf32> to vector<64x64xf32>
    %swap3A_868 = vector.shape_cast %slice3A_862 : vector<64x64xf32> to vector<1x64x64xf32>
    tpu.vector_store %arg3[%swap3A_863, %swap3A_864, %swap3A_865], %swap3A_868 {strides = array<i32>} : memref<1x2944x128xf32, #tpu.memory_space<vmem>>, vector<1x64x64xf32>,
    %slice3A_869 = vector.extract_strided_slice %add3A_861 {offsets = [64, 0], sizes = [64, 64], strides = [1, 1]} : vector<128x128xf32> to vector<64x64xf32>
    %swap3A_870 = arith.constant 0 : index
    %swap3A_871 = arith.constant 2176 : index
    %swap3A_872 = arith.constant 64 : index
    %swap3A_873 = vector.load %arg3[%swap3A_870, %swap3A_871, %swap3A_872] : memref<1x2944x128xf32, #tpu.memory_space<vmem>>, vector<1x64x64xf32>
    %swap3A_874 = vector.shape_cast %swap3A_873 : vector<1x64x64xf32> to vector<64x64xf32>
    %swap3A_875 = vector.shape_cast %slice3A_869 : vector<64x64xf32> to vector<1x64x64xf32>
    tpu.vector_store %arg3[%swap3A_870, %swap3A_871, %swap3A_872], %swap3A_875 {strides = array<i32>} : memref<1x2944x128xf32, #tpu.memory_space<vmem>>, vector<1x64x64xf32>,
    %slice3A_876 = vector.extract_strided_slice %add3A_861 {offsets = [0, 64], sizes = [64, 64], strides = [1, 1]} : vector<128x128xf32> to vector<64x64xf32>
    %swap3A_877 = arith.constant 0 : index
    %swap3A_878 = arith.constant 2240 : index
    %swap3A_879 = arith.constant 0 : index
    %swap3A_880 = vector.load %arg3[%swap3A_877, %swap3A_878, %swap3A_879] : memref<1x2944x128xf32, #tpu.memory_space<vmem>>, vector<1x64x64xf32>
    %swap3A_881 = vector.shape_cast %swap3A_880 : vector<1x64x64xf32> to vector<64x64xf32>
    %swap3A_882 = vector.shape_cast %slice3A_876 : vector<64x64xf32> to vector<1x64x64xf32>
    tpu.vector_store %arg3[%swap3A_877, %swap3A_878, %swap3A_879], %swap3A_882 {strides = array<i32>} : memref<1x2944x128xf32, #tpu.memory_space<vmem>>, vector<1x64x64xf32>,
    %slice3A_883 = vector.extract_strided_slice %add3A_861 {offsets = [64, 64], sizes = [64, 64], strides = [1, 1]} : vector<128x128xf32> to vector<64x64xf32>
    %swap3A_884 = arith.constant 0 : index
    %swap3A_885 = arith.constant 2240 : index
    %swap3A_886 = arith.constant 64 : index
    %swap3A_887 = vector.load %arg3[%swap3A_884, %swap3A_885, %swap3A_886] : memref<1x2944x128xf32, #tpu.memory_space<vmem>>, vector<1x64x64xf32>
    %swap3A_888 = vector.shape_cast %swap3A_887 : vector<1x64x64xf32> to vector<64x64xf32>
    %swap3A_889 = vector.shape_cast %slice3A_883 : vector<64x64xf32> to vector<1x64x64xf32>
    tpu.vector_store %arg3[%swap3A_884, %swap3A_885, %swap3A_886], %swap3A_889 {strides = array<i32>} : memref<1x2944x128xf32, #tpu.memory_space<vmem>>, vector<1x64x64xf32>,
    %get3A_890 = arith.constant 0 : index
    %get3A_891 = arith.constant 0 : index
    %get3A_892 = arith.constant 4608 : index
    %get3A_893 = vector.load %arg2[%get3A_890, %get3A_891, %get3A_892] : memref<1x64x5888xf32, #tpu.memory_space<vmem>>, vector<1x64x128xf32>
    %get3A_894 = vector.shape_cast %get3A_893 : vector<1x64x128xf32> to vector<64x128xf32>
    %get3A_895 = arith.constant 0 : index
    %get3A_896 = arith.constant 0 : index
    %get3A_897 = arith.constant 4736 : index
    %get3A_898 = vector.load %arg2[%get3A_895, %get3A_896, %get3A_897] : memref<1x64x5888xf32, #tpu.memory_space<vmem>>, vector<1x64x128xf32>
    %get3A_899 = vector.shape_cast %get3A_898 : vector<1x64x128xf32> to vector<64x128xf32>
    %concatenate3A_900 = tpu.concatenate %get3A_894, %get3A_899 in 0 : vector<64x128xf32>, vector<64x128xf32> -> vector<128x128xf32>
    %convert_element_type3A_901 = arith.truncf %concatenate3A_900 : vector<128x128xf32> to vector<128x128xbf16>
    %convert_element_type3A_902 = arith.extf %convert_element_type3A_901 : vector<128x128xbf16> to vector<128x128xf32>
    %sub3A_903 = arith.subf %concatenate3A_900, %convert_element_type3A_902 : vector<128x128xf32>
    %convert_element_type3A_904 = arith.truncf %sub3A_903 : vector<128x128xf32> to vector<128x128xbf16>
    %convert_element_type3A_905 = arith.truncf %convert_element_type3A_12 : vector<128x128xf32> to vector<128x128xbf16>
    %dot_general3A_906 = arith.constant dense<0.000000e+00> : vector<128x128xf32>
    %dot_general3A_907 = tpu.matmul %convert_element_type3A_905, %convert_element_type3A_901, %dot_general3A_906 {dimension_numbers = #tpu.dot_dimension_numbers<[1], [1], [0], [0], [0, 0, 1, 0], [], []>, transpose_lhs_hint = false} : vector<128x128xbf16>, vector<128x128xbf16>, vector<128x128xf32> -> vector<128x128xf32>
    %dot_general3A_908 = arith.constant dense<0.000000e+00> : vector<128x128xf32>
    %dot_general3A_909 = tpu.matmul %convert_element_type3A_905, %convert_element_type3A_904, %dot_general3A_908 {dimension_numbers = #tpu.dot_dimension_numbers<[1], [1], [0], [0], [0, 0, 1, 0], [], []>, transpose_lhs_hint = false} : vector<128x128xbf16>, vector<128x128xbf16>, vector<128x128xf32> -> vector<128x128xf32>
    %add3A_910 = arith.addf %dot_general3A_907, %dot_general3A_909 : vector<128x128xf32>
    %slice3A_911 = vector.extract_strided_slice %add3A_910 {offsets = [0, 0], sizes = [64, 64], strides = [1, 1]} : vector<128x128xf32> to vector<64x64xf32>
    %swap3A_912 = arith.constant 0 : index
    %swap3A_913 = arith.constant 2304 : index
    %swap3A_914 = arith.constant 0 : index
    %swap3A_915 = vector.load %arg3[%swap3A_912, %swap3A_913, %swap3A_914] : memref<1x2944x128xf32, #tpu.memory_space<vmem>>, vector<1x64x64xf32>
    %swap3A_916 = vector.shape_cast %swap3A_915 : vector<1x64x64xf32> to vector<64x64xf32>
    %swap3A_917 = vector.shape_cast %slice3A_911 : vector<64x64xf32> to vector<1x64x64xf32>
    tpu.vector_store %arg3[%swap3A_912, %swap3A_913, %swap3A_914], %swap3A_917 {strides = array<i32>} : memref<1x2944x128xf32, #tpu.memory_space<vmem>>, vector<1x64x64xf32>,
    %slice3A_918 = vector.extract_strided_slice %add3A_910 {offsets = [64, 0], sizes = [64, 64], strides = [1, 1]} : vector<128x128xf32> to vector<64x64xf32>
    %swap3A_919 = arith.constant 0 : index
    %swap3A_920 = arith.constant 2304 : index
    %swap3A_921 = arith.constant 64 : index
    %swap3A_922 = vector.load %arg3[%swap3A_919, %swap3A_920, %swap3A_921] : memref<1x2944x128xf32, #tpu.memory_space<vmem>>, vector<1x64x64xf32>
    %swap3A_923 = vector.shape_cast %swap3A_922 : vector<1x64x64xf32> to vector<64x64xf32>
    %swap3A_924 = vector.shape_cast %slice3A_918 : vector<64x64xf32> to vector<1x64x64xf32>
    tpu.vector_store %arg3[%swap3A_919, %swap3A_920, %swap3A_921], %swap3A_924 {strides = array<i32>} : memref<1x2944x128xf32, #tpu.memory_space<vmem>>, vector<1x64x64xf32>,
    %slice3A_925 = vector.extract_strided_slice %add3A_910 {offsets = [0, 64], sizes = [64, 64], strides = [1, 1]} : vector<128x128xf32> to vector<64x64xf32>
    %swap3A_926 = arith.constant 0 : index
    %swap3A_927 = arith.constant 2368 : index
    %swap3A_928 = arith.constant 0 : index
    %swap3A_929 = vector.load %arg3[%swap3A_926, %swap3A_927, %swap3A_928] : memref<1x2944x128xf32, #tpu.memory_space<vmem>>, vector<1x64x64xf32>
    %swap3A_930 = vector.shape_cast %swap3A_929 : vector<1x64x64xf32> to vector<64x64xf32>
    %swap3A_931 = vector.shape_cast %slice3A_925 : vector<64x64xf32> to vector<1x64x64xf32>
    tpu.vector_store %arg3[%swap3A_926, %swap3A_927, %swap3A_928], %swap3A_931 {strides = array<i32>} : memref<1x2944x128xf32, #tpu.memory_space<vmem>>, vector<1x64x64xf32>,
    %slice3A_932 = vector.extract_strided_slice %add3A_910 {offsets = [64, 64], sizes = [64, 64], strides = [1, 1]} : vector<128x128xf32> to vector<64x64xf32>
    %swap3A_933 = arith.constant 0 : index
    %swap3A_934 = arith.constant 2368 : index
    %swap3A_935 = arith.constant 64 : index
    %swap3A_936 = vector.load %arg3[%swap3A_933, %swap3A_934, %swap3A_935] : memref<1x2944x128xf32, #tpu.memory_space<vmem>>, vector<1x64x64xf32>
    %swap3A_937 = vector.shape_cast %swap3A_936 : vector<1x64x64xf32> to vector<64x64xf32>
    %swap3A_938 = vector.shape_cast %slice3A_932 : vector<64x64xf32> to vector<1x64x64xf32>
    tpu.vector_store %arg3[%swap3A_933, %swap3A_934, %swap3A_935], %swap3A_938 {strides = array<i32>} : memref<1x2944x128xf32, #tpu.memory_space<vmem>>, vector<1x64x64xf32>,
    %get3A_939 = arith.constant 0 : index
    %get3A_940 = arith.constant 0 : index
    %get3A_941 = arith.constant 4864 : index
    %get3A_942 = vector.load %arg2[%get3A_939, %get3A_940, %get3A_941] : memref<1x64x5888xf32, #tpu.memory_space<vmem>>, vector<1x64x128xf32>
    %get3A_943 = vector.shape_cast %get3A_942 : vector<1x64x128xf32> to vector<64x128xf32>
    %get3A_944 = arith.constant 0 : index
    %get3A_945 = arith.constant 0 : index
    %get3A_946 = arith.constant 4992 : index
    %get3A_947 = vector.load %arg2[%get3A_944, %get3A_945, %get3A_946] : memref<1x64x5888xf32, #tpu.memory_space<vmem>>, vector<1x64x128xf32>
    %get3A_948 = vector.shape_cast %get3A_947 : vector<1x64x128xf32> to vector<64x128xf32>
    %concatenate3A_949 = tpu.concatenate %get3A_943, %get3A_948 in 0 : vector<64x128xf32>, vector<64x128xf32> -> vector<128x128xf32>
    %convert_element_type3A_950 = arith.truncf %concatenate3A_949 : vector<128x128xf32> to vector<128x128xbf16>
    %convert_element_type3A_951 = arith.extf %convert_element_type3A_950 : vector<128x128xbf16> to vector<128x128xf32>
    %sub3A_952 = arith.subf %concatenate3A_949, %convert_element_type3A_951 : vector<128x128xf32>
    %convert_element_type3A_953 = arith.truncf %sub3A_952 : vector<128x128xf32> to vector<128x128xbf16>
    %convert_element_type3A_954 = arith.truncf %convert_element_type3A_12 : vector<128x128xf32> to vector<128x128xbf16>
    %dot_general3A_955 = arith.constant dense<0.000000e+00> : vector<128x128xf32>
    %dot_general3A_956 = tpu.matmul %convert_element_type3A_954, %convert_element_type3A_950, %dot_general3A_955 {dimension_numbers = #tpu.dot_dimension_numbers<[1], [1], [0], [0], [0, 0, 1, 0], [], []>, transpose_lhs_hint = false} : vector<128x128xbf16>, vector<128x128xbf16>, vector<128x128xf32> -> vector<128x128xf32>
    %dot_general3A_957 = arith.constant dense<0.000000e+00> : vector<128x128xf32>
    %dot_general3A_958 = tpu.matmul %convert_element_type3A_954, %convert_element_type3A_953, %dot_general3A_957 {dimension_numbers = #tpu.dot_dimension_numbers<[1], [1], [0], [0], [0, 0, 1, 0], [], []>, transpose_lhs_hint = false} : vector<128x128xbf16>, vector<128x128xbf16>, vector<128x128xf32> -> vector<128x128xf32>
    %add3A_959 = arith.addf %dot_general3A_956, %dot_general3A_958 : vector<128x128xf32>
    %slice3A_960 = vector.extract_strided_slice %add3A_959 {offsets = [0, 0], sizes = [64, 64], strides = [1, 1]} : vector<128x128xf32> to vector<64x64xf32>
    %swap3A_961 = arith.constant 0 : index
    %swap3A_962 = arith.constant 2432 : index
    %swap3A_963 = arith.constant 0 : index
    %swap3A_964 = vector.load %arg3[%swap3A_961, %swap3A_962, %swap3A_963] : memref<1x2944x128xf32, #tpu.memory_space<vmem>>, vector<1x64x64xf32>
    %swap3A_965 = vector.shape_cast %swap3A_964 : vector<1x64x64xf32> to vector<64x64xf32>
    %swap3A_966 = vector.shape_cast %slice3A_960 : vector<64x64xf32> to vector<1x64x64xf32>
    tpu.vector_store %arg3[%swap3A_961, %swap3A_962, %swap3A_963], %swap3A_966 {strides = array<i32>} : memref<1x2944x128xf32, #tpu.memory_space<vmem>>, vector<1x64x64xf32>,
    %slice3A_967 = vector.extract_strided_slice %add3A_959 {offsets = [64, 0], sizes = [64, 64], strides = [1, 1]} : vector<128x128xf32> to vector<64x64xf32>
    %swap3A_968 = arith.constant 0 : index
    %swap3A_969 = arith.constant 2432 : index
    %swap3A_970 = arith.constant 64 : index
    %swap3A_971 = vector.load %arg3[%swap3A_968, %swap3A_969, %swap3A_970] : memref<1x2944x128xf32, #tpu.memory_space<vmem>>, vector<1x64x64xf32>
    %swap3A_972 = vector.shape_cast %swap3A_971 : vector<1x64x64xf32> to vector<64x64xf32>
    %swap3A_973 = vector.shape_cast %slice3A_967 : vector<64x64xf32> to vector<1x64x64xf32>
    tpu.vector_store %arg3[%swap3A_968, %swap3A_969, %swap3A_970], %swap3A_973 {strides = array<i32>} : memref<1x2944x128xf32, #tpu.memory_space<vmem>>, vector<1x64x64xf32>,
    %slice3A_974 = vector.extract_strided_slice %add3A_959 {offsets = [0, 64], sizes = [64, 64], strides = [1, 1]} : vector<128x128xf32> to vector<64x64xf32>
    %swap3A_975 = arith.constant 0 : index
    %swap3A_976 = arith.constant 2496 : index
    %swap3A_977 = arith.constant 0 : index
    %swap3A_978 = vector.load %arg3[%swap3A_975, %swap3A_976, %swap3A_977] : memref<1x2944x128xf32, #tpu.memory_space<vmem>>, vector<1x64x64xf32>
    %swap3A_979 = vector.shape_cast %swap3A_978 : vector<1x64x64xf32> to vector<64x64xf32>
    %swap3A_980 = vector.shape_cast %slice3A_974 : vector<64x64xf32> to vector<1x64x64xf32>
    tpu.vector_store %arg3[%swap3A_975, %swap3A_976, %swap3A_977], %swap3A_980 {strides = array<i32>} : memref<1x2944x128xf32, #tpu.memory_space<vmem>>, vector<1x64x64xf32>,
    %slice3A_981 = vector.extract_strided_slice %add3A_959 {offsets = [64, 64], sizes = [64, 64], strides = [1, 1]} : vector<128x128xf32> to vector<64x64xf32>
    %swap3A_982 = arith.constant 0 : index
    %swap3A_983 = arith.constant 2496 : index
    %swap3A_984 = arith.constant 64 : index
    %swap3A_985 = vector.load %arg3[%swap3A_982, %swap3A_983, %swap3A_984] : memref<1x2944x128xf32, #tpu.memory_space<vmem>>, vector<1x64x64xf32>
    %swap3A_986 = vector.shape_cast %swap3A_985 : vector<1x64x64xf32> to vector<64x64xf32>
    %swap3A_987 = vector.shape_cast %slice3A_981 : vector<64x64xf32> to vector<1x64x64xf32>
    tpu.vector_store %arg3[%swap3A_982, %swap3A_983, %swap3A_984], %swap3A_987 {strides = array<i32>} : memref<1x2944x128xf32, #tpu.memory_space<vmem>>, vector<1x64x64xf32>,
    %get3A_988 = arith.constant 0 : index
    %get3A_989 = arith.constant 0 : index
    %get3A_990 = arith.constant 5120 : index
    %get3A_991 = vector.load %arg2[%get3A_988, %get3A_989, %get3A_990] : memref<1x64x5888xf32, #tpu.memory_space<vmem>>, vector<1x64x128xf32>
    %get3A_992 = vector.shape_cast %get3A_991 : vector<1x64x128xf32> to vector<64x128xf32>
    %get3A_993 = arith.constant 0 : index
    %get3A_994 = arith.constant 0 : index
    %get3A_995 = arith.constant 5248 : index
    %get3A_996 = vector.load %arg2[%get3A_993, %get3A_994, %get3A_995] : memref<1x64x5888xf32, #tpu.memory_space<vmem>>, vector<1x64x128xf32>
    %get3A_997 = vector.shape_cast %get3A_996 : vector<1x64x128xf32> to vector<64x128xf32>
    %concatenate3A_998 = tpu.concatenate %get3A_992, %get3A_997 in 0 : vector<64x128xf32>, vector<64x128xf32> -> vector<128x128xf32>
    %convert_element_type3A_999 = arith.truncf %concatenate3A_998 : vector<128x128xf32> to vector<128x128xbf16>
    %convert_element_type3A_1000 = arith.extf %convert_element_type3A_999 : vector<128x128xbf16> to vector<128x128xf32>
    %sub3A_1001 = arith.subf %concatenate3A_998, %convert_element_type3A_1000 : vector<128x128xf32>
    %convert_element_type3A_1002 = arith.truncf %sub3A_1001 : vector<128x128xf32> to vector<128x128xbf16>
    %convert_element_type3A_1003 = arith.truncf %convert_element_type3A_12 : vector<128x128xf32> to vector<128x128xbf16>
    %dot_general3A_1004 = arith.constant dense<0.000000e+00> : vector<128x128xf32>
    %dot_general3A_1005 = tpu.matmul %convert_element_type3A_1003, %convert_element_type3A_999, %dot_general3A_1004 {dimension_numbers = #tpu.dot_dimension_numbers<[1], [1], [0], [0], [0, 0, 1, 0], [], []>, transpose_lhs_hint = false} : vector<128x128xbf16>, vector<128x128xbf16>, vector<128x128xf32> -> vector<128x128xf32>
    %dot_general3A_1006 = arith.constant dense<0.000000e+00> : vector<128x128xf32>
    %dot_general3A_1007 = tpu.matmul %convert_element_type3A_1003, %convert_element_type3A_1002, %dot_general3A_1006 {dimension_numbers = #tpu.dot_dimension_numbers<[1], [1], [0], [0], [0, 0, 1, 0], [], []>, transpose_lhs_hint = false} : vector<128x128xbf16>, vector<128x128xbf16>, vector<128x128xf32> -> vector<128x128xf32>
    %add3A_1008 = arith.addf %dot_general3A_1005, %dot_general3A_1007 : vector<128x128xf32>
    %slice3A_1009 = vector.extract_strided_slice %add3A_1008 {offsets = [0, 0], sizes = [64, 64], strides = [1, 1]} : vector<128x128xf32> to vector<64x64xf32>
    %swap3A_1010 = arith.constant 0 : index
    %swap3A_1011 = arith.constant 2560 : index
    %swap3A_1012 = arith.constant 0 : index
    %swap3A_1013 = vector.load %arg3[%swap3A_1010, %swap3A_1011, %swap3A_1012] : memref<1x2944x128xf32, #tpu.memory_space<vmem>>, vector<1x64x64xf32>
    %swap3A_1014 = vector.shape_cast %swap3A_1013 : vector<1x64x64xf32> to vector<64x64xf32>
    %swap3A_1015 = vector.shape_cast %slice3A_1009 : vector<64x64xf32> to vector<1x64x64xf32>
    tpu.vector_store %arg3[%swap3A_1010, %swap3A_1011, %swap3A_1012], %swap3A_1015 {strides = array<i32>} : memref<1x2944x128xf32, #tpu.memory_space<vmem>>, vector<1x64x64xf32>,
    %slice3A_1016 = vector.extract_strided_slice %add3A_1008 {offsets = [64, 0], sizes = [64, 64], strides = [1, 1]} : vector<128x128xf32> to vector<64x64xf32>
    %swap3A_1017 = arith.constant 0 : index
    %swap3A_1018 = arith.constant 2560 : index
    %swap3A_1019 = arith.constant 64 : index
    %swap3A_1020 = vector.load %arg3[%swap3A_1017, %swap3A_1018, %swap3A_1019] : memref<1x2944x128xf32, #tpu.memory_space<vmem>>, vector<1x64x64xf32>
    %swap3A_1021 = vector.shape_cast %swap3A_1020 : vector<1x64x64xf32> to vector<64x64xf32>
    %swap3A_1022 = vector.shape_cast %slice3A_1016 : vector<64x64xf32> to vector<1x64x64xf32>
    tpu.vector_store %arg3[%swap3A_1017, %swap3A_1018, %swap3A_1019], %swap3A_1022 {strides = array<i32>} : memref<1x2944x128xf32, #tpu.memory_space<vmem>>, vector<1x64x64xf32>,
    %slice3A_1023 = vector.extract_strided_slice %add3A_1008 {offsets = [0, 64], sizes = [64, 64], strides = [1, 1]} : vector<128x128xf32> to vector<64x64xf32>
    %swap3A_1024 = arith.constant 0 : index
    %swap3A_1025 = arith.constant 2624 : index
    %swap3A_1026 = arith.constant 0 : index
    %swap3A_1027 = vector.load %arg3[%swap3A_1024, %swap3A_1025, %swap3A_1026] : memref<1x2944x128xf32, #tpu.memory_space<vmem>>, vector<1x64x64xf32>
    %swap3A_1028 = vector.shape_cast %swap3A_1027 : vector<1x64x64xf32> to vector<64x64xf32>
    %swap3A_1029 = vector.shape_cast %slice3A_1023 : vector<64x64xf32> to vector<1x64x64xf32>
    tpu.vector_store %arg3[%swap3A_1024, %swap3A_1025, %swap3A_1026], %swap3A_1029 {strides = array<i32>} : memref<1x2944x128xf32, #tpu.memory_space<vmem>>, vector<1x64x64xf32>,
    %slice3A_1030 = vector.extract_strided_slice %add3A_1008 {offsets = [64, 64], sizes = [64, 64], strides = [1, 1]} : vector<128x128xf32> to vector<64x64xf32>
    %swap3A_1031 = arith.constant 0 : index
    %swap3A_1032 = arith.constant 2624 : index
    %swap3A_1033 = arith.constant 64 : index
    %swap3A_1034 = vector.load %arg3[%swap3A_1031, %swap3A_1032, %swap3A_1033] : memref<1x2944x128xf32, #tpu.memory_space<vmem>>, vector<1x64x64xf32>
    %swap3A_1035 = vector.shape_cast %swap3A_1034 : vector<1x64x64xf32> to vector<64x64xf32>
    %swap3A_1036 = vector.shape_cast %slice3A_1030 : vector<64x64xf32> to vector<1x64x64xf32>
    tpu.vector_store %arg3[%swap3A_1031, %swap3A_1032, %swap3A_1033], %swap3A_1036 {strides = array<i32>} : memref<1x2944x128xf32, #tpu.memory_space<vmem>>, vector<1x64x64xf32>,
    %get3A_1037 = arith.constant 0 : index
    %get3A_1038 = arith.constant 0 : index
    %get3A_1039 = arith.constant 5376 : index
    %get3A_1040 = vector.load %arg2[%get3A_1037, %get3A_1038, %get3A_1039] : memref<1x64x5888xf32, #tpu.memory_space<vmem>>, vector<1x64x128xf32>
    %get3A_1041 = vector.shape_cast %get3A_1040 : vector<1x64x128xf32> to vector<64x128xf32>
    %get3A_1042 = arith.constant 0 : index
    %get3A_1043 = arith.constant 0 : index
    %get3A_1044 = arith.constant 5504 : index
    %get3A_1045 = vector.load %arg2[%get3A_1042, %get3A_1043, %get3A_1044] : memref<1x64x5888xf32, #tpu.memory_space<vmem>>, vector<1x64x128xf32>
    %get3A_1046 = vector.shape_cast %get3A_1045 : vector<1x64x128xf32> to vector<64x128xf32>
    %concatenate3A_1047 = tpu.concatenate %get3A_1041, %get3A_1046 in 0 : vector<64x128xf32>, vector<64x128xf32> -> vector<128x128xf32>
    %convert_element_type3A_1048 = arith.truncf %concatenate3A_1047 : vector<128x128xf32> to vector<128x128xbf16>
    %convert_element_type3A_1049 = arith.extf %convert_element_type3A_1048 : vector<128x128xbf16> to vector<128x128xf32>
    %sub3A_1050 = arith.subf %concatenate3A_1047, %convert_element_type3A_1049 : vector<128x128xf32>
    %convert_element_type3A_1051 = arith.truncf %sub3A_1050 : vector<128x128xf32> to vector<128x128xbf16>
    %convert_element_type3A_1052 = arith.truncf %convert_element_type3A_12 : vector<128x128xf32> to vector<128x128xbf16>
    %dot_general3A_1053 = arith.constant dense<0.000000e+00> : vector<128x128xf32>
    %dot_general3A_1054 = tpu.matmul %convert_element_type3A_1052, %convert_element_type3A_1048, %dot_general3A_1053 {dimension_numbers = #tpu.dot_dimension_numbers<[1], [1], [0], [0], [0, 0, 1, 0], [], []>, transpose_lhs_hint = false} : vector<128x128xbf16>, vector<128x128xbf16>, vector<128x128xf32> -> vector<128x128xf32>
    %dot_general3A_1055 = arith.constant dense<0.000000e+00> : vector<128x128xf32>
    %dot_general3A_1056 = tpu.matmul %convert_element_type3A_1052, %convert_element_type3A_1051, %dot_general3A_1055 {dimension_numbers = #tpu.dot_dimension_numbers<[1], [1], [0], [0], [0, 0, 1, 0], [], []>, transpose_lhs_hint = false} : vector<128x128xbf16>, vector<128x128xbf16>, vector<128x128xf32> -> vector<128x128xf32>
    %add3A_1057 = arith.addf %dot_general3A_1054, %dot_general3A_1056 : vector<128x128xf32>
    %slice3A_1058 = vector.extract_strided_slice %add3A_1057 {offsets = [0, 0], sizes = [64, 64], strides = [1, 1]} : vector<128x128xf32> to vector<64x64xf32>
    %swap3A_1059 = arith.constant 0 : index
    %swap3A_1060 = arith.constant 2688 : index
    %swap3A_1061 = arith.constant 0 : index
    %swap3A_1062 = vector.load %arg3[%swap3A_1059, %swap3A_1060, %swap3A_1061] : memref<1x2944x128xf32, #tpu.memory_space<vmem>>, vector<1x64x64xf32>
    %swap3A_1063 = vector.shape_cast %swap3A_1062 : vector<1x64x64xf32> to vector<64x64xf32>
    %swap3A_1064 = vector.shape_cast %slice3A_1058 : vector<64x64xf32> to vector<1x64x64xf32>
    tpu.vector_store %arg3[%swap3A_1059, %swap3A_1060, %swap3A_1061], %swap3A_1064 {strides = array<i32>} : memref<1x2944x128xf32, #tpu.memory_space<vmem>>, vector<1x64x64xf32>,
    %slice3A_1065 = vector.extract_strided_slice %add3A_1057 {offsets = [64, 0], sizes = [64, 64], strides = [1, 1]} : vector<128x128xf32> to vector<64x64xf32>
    %swap3A_1066 = arith.constant 0 : index
    %swap3A_1067 = arith.constant 2688 : index
    %swap3A_1068 = arith.constant 64 : index
    %swap3A_1069 = vector.load %arg3[%swap3A_1066, %swap3A_1067, %swap3A_1068] : memref<1x2944x128xf32, #tpu.memory_space<vmem>>, vector<1x64x64xf32>
    %swap3A_1070 = vector.shape_cast %swap3A_1069 : vector<1x64x64xf32> to vector<64x64xf32>
    %swap3A_1071 = vector.shape_cast %slice3A_1065 : vector<64x64xf32> to vector<1x64x64xf32>
    tpu.vector_store %arg3[%swap3A_1066, %swap3A_1067, %swap3A_1068], %swap3A_1071 {strides = array<i32>} : memref<1x2944x128xf32, #tpu.memory_space<vmem>>, vector<1x64x64xf32>,
    %slice3A_1072 = vector.extract_strided_slice %add3A_1057 {offsets = [0, 64], sizes = [64, 64], strides = [1, 1]} : vector<128x128xf32> to vector<64x64xf32>
    %swap3A_1073 = arith.constant 0 : index
    %swap3A_1074 = arith.constant 2752 : index
    %swap3A_1075 = arith.constant 0 : index
    %swap3A_1076 = vector.load %arg3[%swap3A_1073, %swap3A_1074, %swap3A_1075] : memref<1x2944x128xf32, #tpu.memory_space<vmem>>, vector<1x64x64xf32>
    %swap3A_1077 = vector.shape_cast %swap3A_1076 : vector<1x64x64xf32> to vector<64x64xf32>
    %swap3A_1078 = vector.shape_cast %slice3A_1072 : vector<64x64xf32> to vector<1x64x64xf32>
    tpu.vector_store %arg3[%swap3A_1073, %swap3A_1074, %swap3A_1075], %swap3A_1078 {strides = array<i32>} : memref<1x2944x128xf32, #tpu.memory_space<vmem>>, vector<1x64x64xf32>,
    %slice3A_1079 = vector.extract_strided_slice %add3A_1057 {offsets = [64, 64], sizes = [64, 64], strides = [1, 1]} : vector<128x128xf32> to vector<64x64xf32>
    %swap3A_1080 = arith.constant 0 : index
    %swap3A_1081 = arith.constant 2752 : index
    %swap3A_1082 = arith.constant 64 : index
    %swap3A_1083 = vector.load %arg3[%swap3A_1080, %swap3A_1081, %swap3A_1082] : memref<1x2944x128xf32, #tpu.memory_space<vmem>>, vector<1x64x64xf32>
    %swap3A_1084 = vector.shape_cast %swap3A_1083 : vector<1x64x64xf32> to vector<64x64xf32>
    %swap3A_1085 = vector.shape_cast %slice3A_1079 : vector<64x64xf32> to vector<1x64x64xf32>
    tpu.vector_store %arg3[%swap3A_1080, %swap3A_1081, %swap3A_1082], %swap3A_1085 {strides = array<i32>} : memref<1x2944x128xf32, #tpu.memory_space<vmem>>, vector<1x64x64xf32>,
    %get3A_1086 = arith.constant 0 : index
    %get3A_1087 = arith.constant 0 : index
    %get3A_1088 = arith.constant 5632 : index
    %get3A_1089 = vector.load %arg2[%get3A_1086, %get3A_1087, %get3A_1088] : memref<1x64x5888xf32, #tpu.memory_space<vmem>>, vector<1x64x128xf32>
    %get3A_1090 = vector.shape_cast %get3A_1089 : vector<1x64x128xf32> to vector<64x128xf32>
    %get3A_1091 = arith.constant 0 : index
    %get3A_1092 = arith.constant 0 : index
    %get3A_1093 = arith.constant 5760 : index
    %get3A_1094 = vector.load %arg2[%get3A_1091, %get3A_1092, %get3A_1093] : memref<1x64x5888xf32, #tpu.memory_space<vmem>>, vector<1x64x128xf32>
    %get3A_1095 = vector.shape_cast %get3A_1094 : vector<1x64x128xf32> to vector<64x128xf32>
    %concatenate3A_1096 = tpu.concatenate %get3A_1090, %get3A_1095 in 0 : vector<64x128xf32>, vector<64x128xf32> -> vector<128x128xf32>
    %convert_element_type3A_1097 = arith.truncf %concatenate3A_1096 : vector<128x128xf32> to vector<128x128xbf16>
    %convert_element_type3A_1098 = arith.extf %convert_element_type3A_1097 : vector<128x128xbf16> to vector<128x128xf32>
    %sub3A_1099 = arith.subf %concatenate3A_1096, %convert_element_type3A_1098 : vector<128x128xf32>
    %convert_element_type3A_1100 = arith.truncf %sub3A_1099 : vector<128x128xf32> to vector<128x128xbf16>
    %convert_element_type3A_1101 = arith.truncf %convert_element_type3A_12 : vector<128x128xf32> to vector<128x128xbf16>
    %dot_general3A_1102 = arith.constant dense<0.000000e+00> : vector<128x128xf32>
    %dot_general3A_1103 = tpu.matmul %convert_element_type3A_1101, %convert_element_type3A_1097, %dot_general3A_1102 {dimension_numbers = #tpu.dot_dimension_numbers<[1], [1], [0], [0], [0, 0, 1, 0], [], []>, transpose_lhs_hint = false} : vector<128x128xbf16>, vector<128x128xbf16>, vector<128x128xf32> -> vector<128x128xf32>
    %dot_general3A_1104 = arith.constant dense<0.000000e+00> : vector<128x128xf32>
    %dot_general3A_1105 = tpu.matmul %convert_element_type3A_1101, %convert_element_type3A_1100, %dot_general3A_1104 {dimension_numbers = #tpu.dot_dimension_numbers<[1], [1], [0], [0], [0, 0, 1, 0], [], []>, transpose_lhs_hint = false} : vector<128x128xbf16>, vector<128x128xbf16>, vector<128x128xf32> -> vector<128x128xf32>
    %add3A_1106 = arith.addf %dot_general3A_1103, %dot_general3A_1105 : vector<128x128xf32>
    %slice3A_1107 = vector.extract_strided_slice %add3A_1106 {offsets = [0, 0], sizes = [64, 64], strides = [1, 1]} : vector<128x128xf32> to vector<64x64xf32>
    %swap3A_1108 = arith.constant 0 : index
    %swap3A_1109 = arith.constant 2816 : index
    %swap3A_1110 = arith.constant 0 : index
    %swap3A_1111 = vector.load %arg3[%swap3A_1108, %swap3A_1109, %swap3A_1110] : memref<1x2944x128xf32, #tpu.memory_space<vmem>>, vector<1x64x64xf32>
    %swap3A_1112 = vector.shape_cast %swap3A_1111 : vector<1x64x64xf32> to vector<64x64xf32>
    %swap3A_1113 = vector.shape_cast %slice3A_1107 : vector<64x64xf32> to vector<1x64x64xf32>
    tpu.vector_store %arg3[%swap3A_1108, %swap3A_1109, %swap3A_1110], %swap3A_1113 {strides = array<i32>} : memref<1x2944x128xf32, #tpu.memory_space<vmem>>, vector<1x64x64xf32>,
    %slice3A_1114 = vector.extract_strided_slice %add3A_1106 {offsets = [64, 0], sizes = [64, 64], strides = [1, 1]} : vector<128x128xf32> to vector<64x64xf32>
    %swap3A_1115 = arith.constant 0 : index
    %swap3A_1116 = arith.constant 2816 : index
    %swap3A_1117 = arith.constant 64 : index
    %swap3A_1118 = vector.load %arg3[%swap3A_1115, %swap3A_1116, %swap3A_1117] : memref<1x2944x128xf32, #tpu.memory_space<vmem>>, vector<1x64x64xf32>
    %swap3A_1119 = vector.shape_cast %swap3A_1118 : vector<1x64x64xf32> to vector<64x64xf32>
    %swap3A_1120 = vector.shape_cast %slice3A_1114 : vector<64x64xf32> to vector<1x64x64xf32>
    tpu.vector_store %arg3[%swap3A_1115, %swap3A_1116, %swap3A_1117], %swap3A_1120 {strides = array<i32>} : memref<1x2944x128xf32, #tpu.memory_space<vmem>>, vector<1x64x64xf32>,
    %slice3A_1121 = vector.extract_strided_slice %add3A_1106 {offsets = [0, 64], sizes = [64, 64], strides = [1, 1]} : vector<128x128xf32> to vector<64x64xf32>
    %swap3A_1122 = arith.constant 0 : index
    %swap3A_1123 = arith.constant 2880 : index
    %swap3A_1124 = arith.constant 0 : index
    %swap3A_1125 = vector.load %arg3[%swap3A_1122, %swap3A_1123, %swap3A_1124] : memref<1x2944x128xf32, #tpu.memory_space<vmem>>, vector<1x64x64xf32>
    %swap3A_1126 = vector.shape_cast %swap3A_1125 : vector<1x64x64xf32> to vector<64x64xf32>
    %swap3A_1127 = vector.shape_cast %slice3A_1121 : vector<64x64xf32> to vector<1x64x64xf32>
    tpu.vector_store %arg3[%swap3A_1122, %swap3A_1123, %swap3A_1124], %swap3A_1127 {strides = array<i32>} : memref<1x2944x128xf32, #tpu.memory_space<vmem>>, vector<1x64x64xf32>,
    %slice3A_1128 = vector.extract_strided_slice %add3A_1106 {offsets = [64, 64], sizes = [64, 64], strides = [1, 1]} : vector<128x128xf32> to vector<64x64xf32>
    %swap3A_1129 = arith.constant 0 : index
    %swap3A_1130 = arith.constant 2880 : index
    %swap3A_1131 = arith.constant 64 : index
    %swap3A_1132 = vector.load %arg3[%swap3A_1129, %swap3A_1130, %swap3A_1131] : memref<1x2944x128xf32, #tpu.memory_space<vmem>>, vector<1x64x64xf32>
    %swap3A_1133 = vector.shape_cast %swap3A_1132 : vector<1x64x64xf32> to vector<64x64xf32>
    %swap3A_1134 = vector.shape_cast %slice3A_1128 : vector<64x64xf32> to vector<1x64x64xf32>
    tpu.vector_store %arg3[%swap3A_1129, %swap3A_1130, %swap3A_1131], %swap3A_1134 {strides = array<i32>} : memref<1x2944x128xf32, #tpu.memory_space<vmem>>, vector<1x64x64xf32>,
    return
  }
  func.func @transform_0(%arg0: i32, %arg1: i32) -> (i32, i32, i32) {
    %c0_i32 = arith.constant 0 : i32
    %c0_i32_0 = arith.constant 0 : i32
    return %arg0, %c0_i32, %arg1 : i32, i32, i32
  }
  func.func @transform_1(%arg0: i32, %arg1: i32) -> (i32, i32, i32) {
    %c0_i32 = arith.constant 0 : i32
    %c0_i32_0 = arith.constant 0 : i32
    return %arg0, %arg1, %c0_i32 : i32, i32, i32
  }
}

</mosaic_0001>

<sc_bundles>
// kernel: kernel.5.cloned.1.call-start
scs
__scs_entry_jumppad:
0x0: {  	(pc) =	sbr.rel $0x88, $3  }
0x1: {  	(tag) =	ssettag $0x0;
	lr =	simm.s32 $0x1  }
0x2: {  	[smem:$0x3F9F] =	sst lr;
	_ =	strace $0xD0000000  }
0x3: {  	_ = 	snop  }
0x4: {  	_ = 	snop  }
0x5: {  	_ = 	snop  }
0x6: {  	_ = 	snop  }
0x7: {  	_ = 	snop  }
__scs_overlays_trampoline_lowered:
0x8: {  	[smem:$0x3FAE] =	sst s0  }
0x9: {  	[smem:$0x3FAF] =	sst s1  }
0xa: {  	[smem:$0x3FB0] =	sst s2  }
0xb: {  	[smem:$0x3FB1] =	sst s3  }
0xc: {  	[smem:$0x3FB2] =	sst s4  }
0xd: {  	[smem:$0x3FB3] =	sst s5  }
0xe: {  	[smem:$0x3FB4] =	sst s6  }
0xf: {  	[smem:$0x3FB5] =	sst s7  }
0x10: {  	[smem:$0x3FB6] =	sst s8  }
0x11: {  	[smem:$0x3FB7] =	sst s9;
	s0 =	simm.s32 @!p0 $0x0  }
0x12: {  	s1 =	sld [smem:$0x3F9D];
	s0 =	simm.s32 @p0 $0x1  }
0x13: {  	[smem:$0x3FB8] =	sst s0;
	s0 =	simm.s32 @!p1 $0x0  }
0x14: {  	s2 =	sld [smem:$0x3F9C];
	s0 =	simm.s32 @p1 $0x1  }
0x15: {  	[smem:$0x3FB9] =	sst s0;
	s0 =	simm.s32 @!p2 $0x0  }
0x16: {  	s3 =	sld [smem:$0x3FDB];
	s0 =	simm.s32 @p2 $0x1  }
0x17: {  	s4 =	simm.s32 $0x1BF5;
	[smem:$0x3FBB] =	sst s0  }
0x18: {  	s0 =	sld [smem:$0x3F9E];
	_ =	swait.ge [sflag:s4], $0x0  }
0x19: {  	s7 =	sld [smem:$0x3F9F]  }
0x1a: {  	s8 =	sadd.s32 $0xFFFFE003, lr  }
0x1b: {  	s9 =	sadd.s32 $0xFFFFFEF7, lr;
	s5 =	simm.s32 $0xFFFFFFFF;
	p2 =	slt.u32 s8, $0xFFFFF086  }
0x1c: {  	p1 =	slt.u32 s9, $0xF7A;
	s5 =	simm.s32 @!p2 $0x0  }
0x1d: {  	s5 =	simm.s32 @p1 $0x1;
	p0 =	seq.s32 s7, s2  }
0x1e: {  	s7 =	smul.u32 @!p0 $0xF7A, s2;
	p2 =	seq.s32 @!p0 s5, $0x0  }
0x1f: {  	s9 =	smul.u32 $0xF7A, s1;
	s8 =	simm.s32 @!p0 $0x1BF5;
	p2 =	por !p2, p0  }
0x20: {  	[sflag:s8] =	ssyncset.s32 @!p0 $0xFFFFF086;
	s6 =	sadd.s32 @!p0 s3, s7;
	s7 =	simm.s32 @!p0 $0x108  }
0x21: {  	s3 =	sadd.s32 s3, s9;
	s6 =	sadd.s32 @!p0 $0x88, s6;
	s7 =	simm.s32 @p2 $0x1082  }
0x22: {  	[simem:s7], [sflag:s8] =	dma.local @!p0 [hbm:s6], $0xF7A  }
0x23: {  	s9 =	sor.u32 $0xD0000000, s2;
	s6 =	simm.s32 $0x108;
	_ =	swait.ge @!p0 [sflag:s8], $0x0  }
0x24: {  	s3 =	sadd.s32 $0x88, s3;
	s6 =	simm.s32 @!p1 $0x1082;
	[sflag:s4] =	ssyncset.s32 $0xFFFFF086  }
0x25: {  	[simem:s6], [sflag:s4] =	dma.local [hbm:s3], $0xF7A  }
0x26: {  	[smem:$0x3F9F] =	sst s1;
	(tag) =	ssettag s2;
	_ =	strace s9  }
0x27: {  	s1 =	sld [smem:$0x3FAF]  }
0x28: {  	s2 =	sld [smem:$0x3FB0]  }
0x29: {  	s4 =	sld [smem:$0x3FB2]  }
0x2a: {  	p0 =	seq.s32 s5, $0x0;
	s5 =	sld [smem:$0x3FB3]  }
0x2b: {  	s6 =	sld [smem:$0x3FB4]  }
0x2c: {  	s7 =	sld [smem:$0x3FB5]  }
0x2d: {  	s3 =	simm.s32 $0x108;
	s8 =	sld [smem:$0x3FB6]  }
0x2e: {  	s3 =	simm.s32 @!p0 $0x1082;
	s9 =	sld [smem:$0x3FB7]  }
0x2f: {  	lr =	sadd.s32 s0, s3;
	s0 =	sld [smem:$0x3FAE]  }
0x30: {  	s3 =	sld [smem:$0x3FB1]  }
0x31: {  	[smem:$0x3FBA] =	sst s10  }
0x32: {  	s10 =	sld [smem:$0x3FB8];
	_ =	sdelay $0x3  }
0x33: {  	p0 =	seq.s32 s10, $0x1;
	s10 =	sld [smem:$0x3FBA];
	_ =	sdelay $0x3  }
0x34: {  	[smem:$0x3FBA] =	sst s10  }
0x35: {  	s10 =	sld [smem:$0x3FB9];
	_ =	sdelay $0x3  }
0x36: {  	p1 =	seq.s32 s10, $0x1;
	s10 =	sld [smem:$0x3FBA];
	_ =	sdelay $0x3  }
0x37: {  	[smem:$0x3FBA] =	sst s10  }
0x38: {  	s10 =	sld [smem:$0x3FBB]  }
0x39: {  	_ = 	snop;
	(pc) =	sbr.ind lr, $3  }
0x3a: {  	_ = 	snop  }
0x3b: {  	_ = 	snop  }
0x3c: {  	p2 =	seq.s32 s10, $0x1;
	s10 =	sld [smem:$0x3FBA]  }
0x3d: {  	_ =	shalt  }
0x3e: {  	_ =	shalt  }
0x3f: {  	_ =	shalt  }
0x40: {  	_ =	shalt  }
0x41: {  	_ =	shalt  }
0x42: {  	_ =	shalt  }
0x43: {  	_ =	shalt  }
0x44: {  	_ =	shalt  }
0x45: {  	_ =	shalt  }
0x46: {  	_ =	shalt  }
0x47: {  	_ =	shalt  }
0x48: {  	_ =	shalt  }
0x49: {  	_ =	shalt  }
0x4a: {  	_ =	shalt  }
0x4b: {  	_ =	shalt  }
0x4c: {  	_ =	shalt  }
0x4d: {  	_ =	shalt  }
0x4e: {  	_ =	shalt  }
0x4f: {  	_ =	shalt  }
0x50: {  	_ =	shalt  }
0x51: {  	_ =	shalt  }
0x52: {  	_ =	shalt  }
0x53: {  	_ =	shalt  }
0x54: {  	_ =	shalt  }
0x55: {  	_ =	shalt  }
0x56: {  	_ =	shalt  }
0x57: {  	_ =	shalt  }
0x58: {  	_ =	shalt  }
0x59: {  	_ =	shalt  }
0x5a: {  	_ =	shalt  }
0x5b: {  	_ =	shalt  }
0x5c: {  	_ =	shalt  }
0x5d: {  	_ =	shalt  }
0x5e: {  	_ =	shalt  }
0x5f: {  	_ =	shalt  }
0x60: {  	_ =	shalt  }
0x61: {  	_ =	shalt  }
0x62: {  	_ =	shalt  }
0x63: {  	_ =	shalt  }
0x64: {  	_ =	shalt  }
0x65: {  	_ =	shalt  }
0x66: {  	_ =	shalt  }
0x67: {  	_ =	shalt  }
0x68: {  	_ =	shalt  }
0x69: {  	_ =	shalt  }
0x6a: {  	_ =	shalt  }
0x6b: {  	_ =	shalt  }
0x6c: {  	_ =	shalt  }
0x6d: {  	_ =	shalt  }
0x6e: {  	_ =	shalt  }
0x6f: {  	_ =	shalt  }
0x70: {  	_ =	shalt  }
0x71: {  	_ =	shalt  }
0x72: {  	_ =	shalt  }
0x73: {  	_ =	shalt  }
0x74: {  	_ =	shalt  }
0x75: {  	_ =	shalt  }
0x76: {  	_ =	shalt  }
0x77: {  	_ =	shalt  }
0x78: {  	_ =	shalt  }
0x79: {  	_ =	shalt  }
0x7a: {  	_ =	shalt  }
0x7b: {  	_ =	shalt  }
0x7c: {  	_ =	shalt  }
0x7d: {  	_ =	shalt  }
0x7e: {  	_ =	shalt  }
0x7f: {  	_ =	shalt  }
0x80: {  	_ =	shalt  }
0x81: {  	_ =	shalt  }
0x82: {  	_ =	shalt  }
0x83: {  	_ =	shalt  }
0x84: {  	_ =	shalt  }
0x85: {  	_ =	shalt  }
0x86: {  	_ =	shalt  }
0x87: {  	_ =	shalt  }
.Lfunc_end0:
.L_simem_size_0:
called_computation_lowered:
.L_overlay_start_0:
0x88: {  	s2 =	sld [smem:$0x3FD9]  }
0x89: {  	s3 =	sld [smem:$0x3FFE];
	_ =	sdelay $0x1  }
0x8a: {  	s1 =	srdreg.scid  }
0x8b: {  	s0 =	sand.u32 $0x1, s1  }
0x8c: {  	s17 =	sshll.u32 s0, $0xA;
	s2 =	sadd.s32 s3, s2  }
0x8d: {  	s2 =	sadd.s32 s2, s17  }
0x8e: {  	[smem:$0x3FC6] =	sst s2  }
0x8f: {  	_ = 	snop  }
0x90: {  	s2 =	sld [smem:$0x3FC9];
	(tm) =	ssettm $0x1  }
0x91: {  	s18 =	sld [smem:$0x3FFB];
	_ =	sdelay $0x3  }
0x92: {  	_ =	strace s18  }
0x93: {  	s3 =	sld [smem:$0x3FFC];
	_ =	sdelay $0x3  }
0x94: {  	_ =	strace s3  }
0x95: {  	s3 =	sld [smem:$0x3FFD];
	_ =	sdelay $0x3  }
0x96: {  	_ =	strace s3  }
0x97: {  	_ =	strace $0x8FFFFFFF  }
0x98: {  	s19 =	sld [smem:$0x3FDB];
	_ =	sdelay $0x1  }
0x99: {  	s4 =	simm.s32 $_scs_section_size  }
0x9a: {  	s5 =	simm.s32 $_size__tile_overlayer_lowered;
	s6 =	simm.s32 $_tile_overlayer_lowered  }
0x9b: {  	s22 =	simm.s32 $0x1BFF;
	s21 =	sshll.u32 s6, $0x1;
	s3 =	sadd.s32 s4, s19  }
0x9c: {  	s7 =	simm.s32 $0x0;
	s20 =	sshll.u32 s5, $0x1;
	s5 =	sadd.s32 s21, s3  }
0x9d: {  	[timem:s7], [sflag:s22] =	dma.local [hbm:s5], s20  }
0x9e: {  	_ =	swait.ge [sflag:s22], s20  }
0x9f: {  	s4 =	ssub.s32 $0x0, s20;
	[sflag:s22] =	ssyncset.done $0x0  }
0xa0: {  	[sflag:s22] =	ssyncadd.s32 s4;
	_ =	sdelay $0x1  }
0xa1: {  	s23 =	simm.s32 $0x1B8B  }
0xa2: {  	_ =	swait.ge [sflag:s23], $0x1  }
0xa3: {  	[sflag:s23] =	ssyncset.done $0x0  }
0xa4: {  	s25 =	simm.s32 $0x1B8E;
	s24 =	sld [smem:$0x3FFE];
	[sflag:s23] =	ssyncadd.s32 $0xFFFFFFFF  }
0xa5: {  	s26 =	simm.s32 $execute0_lowered;
	[smem:$0x3FD2] =	sst s25  }
0xa6: {  	s5 =	sshll.u32 s26, $0x1;
	_ =	strace $0x80000046;
	[dreg:$0x1] =	wrdreg $0xFFFFFFFF  }
0xa7: {  	s28 =	simm.s32 $_size_execute0_lowered;
	s3 =	sadd.s32 s3, s5;
	[dreg:$0x0] =	wrdreg $0x0  }
0xa8: {  	s5 =	sshll.u32 s28, $0x1;
	[dreg:$0x2] =	wrdreg s3  }
0xa9: {  	[dreg:$0x3] =	wrdreg s5  }
0xaa: {  	[dreg:$0x4] =	wrdreg $0xC0  }
0xab: {  	_ =	task [dreg:s7], $0x5FFFF  }
0xac: {  	[dreg:$0x1] =	wrdreg $0xFFFFFFFF  }
0xad: {  	[dreg:$0x0] =	wrdreg $0x60  }
0xae: {  	[dreg:$0x2] =	wrdreg s2  }
0xaf: {  	[dreg:$0x3] =	wrdreg s24  }
0xb0: {  	[dreg:$0x4] =	wrdreg $0x9  }
0xb1: {  	_ =	task.clear_ibuf [dreg:s7], $0x5FFFF;
	_ =	strace $0x90000046  }
0xb2: {  	s29 =	simm.s32 $0x9;
	_ =	strace $0x80000048  }
0xb3: {  	_ =	swait.ge [sflag:s29], $0x1  }
0xb4: {  	[sflag:s29] =	ssyncadd.s32 $0xFFFFFFFF  }
0xb5: {  	_ =	strace $0x90000048  }
0xb6: {  	_ =	sfence  }
0xb7: {  	s30 =	sld [smem:$0x0];
	_ =	sdelay $0x2  }
0xb8: {  	s31 =	sshll.u32 s1, $0xD;
	s1 =	sshrl.u32 s1, $0x2  }
0xb9: {  	s3 =	sand.u32 $0x4000, s31;
	s1 =	sadd.s32 s1, s30  }
0xba: {  	s0 =	sor.u32 s3, s0;
	s1 =	sshll.u32 s1, $0x11  }
0xbb: {  	s0 =	sor.u32 s1, s0  }
0xbc: {  	s0 =	sadd.s32 $0x8F2B, s0  }
0xbd: {  	[sflag:s0] =	ssyncadd.remote.s32 $0x1  }
0xbe: {  	_ =	sfence.sel $0xFFFF  }
0xbf: {  	[dreg:$0x0] =	wrdreg $0xFFFFFFFF;
	(pc) =	sbr.abs _section_cstart, $3  }
0xc0: {  	[dreg:$0x1] =	wrdreg $0xFFFFFFFF  }
0xc1: {  	_ =	task.clear_ibuf [dreg:s7], $0x2FFFF;
	_ =	strace $0x9FFFFFFF  }
0xc2: {  	(tm) =	ssettm $0x7FFFFFFF  }
0xc3: {  	_ =	shalt  }
tec
execute0_lowered:
.L_overlay_start_1:
0x0: {  	(tag) =	ssettag $0x1  }
0x1: {  	s0 =	rddreg [dreg:$0x0]  }
0x2: {  	s1 =	rddreg [dreg:$0x1];
	s2 =	simm.s32 $0x0  }
0x3: {  	s3 =	srdreg.scid;
	s11 =	stileid.u32;
	s16 =	simm.s32 $0x3  }
0x4: {  	s17 =	simm.s32 $0x80;
	s19 =	simm.s32 $0x1200;
	s23 =	simm.s32 $0x9200  }
0x5: {  	s24 =	simm.s32 $0x1;
	s25 =	simm.s32 $0x1180;
	s28 =	simm.s32 $0x2  }
0x6: {  	s29 =	simm.s32 $0x0;
	[smem:$0x7FF] =	sst s2;
	s9 =	sand.u32 $0x1, s3  }
0x7: {  	s4 =	sshll.u32 s11, $0x8;
	s10 =	sadd.s32 $0x13DB600, s1;
	s7 =	sadd.s32 $0x187600, s1  }
0x8: {  	s3 =	sadd.s32 $0x600, s1;
	s11 =	sshll.u32 s11, $0xC;
	s21 =	sadd.s32 $0x30E600, s1  }
0x9: {  	_ =	strace $0x80000047;
	s5 =	sshll.u32 s9, $0x7;
	s6 =	ssub.s32 $0x2, s9  }
0xa: {  	s11 =	sadd.s32 s11, s10;
	s12 =	sshll.u32 s9, $0xB;
	s8 =	sor.u32 s5, s4  }
0xb: {  	s26 =	sshrl.u32 s6, $0x1;
	s31 =	sadd.s32 s12, s11;
	s4 =	sadd.s32 s0, s8  }
0xc: {  	s30 =	ssub.s32 s6, s26;
	s6 =	sadd.s32 $0xC3E00, s1;
	s8 =	sshll.u32 s8, $0x4  }
0xd: {  	s14 =	sadd.s32 $0x10000, s31;
	s26 =	simm.s32 $0xD200;
	s5 =	sadd.s32 $0x3000, s4  }
0xe: {  	s8 =	sadd.s32 s10, s8;
	s9 =	smax.u32 s30, $0x1;
	s10 =	sadd.s32 $0x24AE00, s1  }
.LBB2_1:
0xf: {  	s0 =	simm.s32 $0x400;
	s1 =	simm.s32 $0x8000  }
0x10: {  	[tilespmem:s2], [sflag:$0x3] =	stream.strided.gather [hbm4b:s4+s0], $0xC00, s1, s0, $0x38;
	[tilespmem:$0x11200] =	vst v63  }
0x11: {  	s12 =	simm.s32 $0xC00  }
0x12: {  	[tilespmem:s12], [sflag:$0x3] =	stream.linear.gather [hbm4b:s5+s2], $0x100, $0x38;
	[tilespmem:$0x11200] =	vst v63  }
0x13: {  	_ =	swait.ge [sflag:s16], $0xD00  }
0x14: {  	[sflag:s16] =	ssyncset.done $0x0  }
0x15: {  	[sflag:s16] =	ssyncadd.s32 $0xFFFFF300  }
0x16: {  	v0 =	vld [tilespmem:$0x0]  }
0x17: {  	v1 =	vld [tilespmem:$0x10]  }
0x18: {  	v2 =	vld [tilespmem:$0x20]  }
0x19: {  	v3 =	vld [tilespmem:$0x30]  }
0x1a: {  	v4 =	vld [tilespmem:$0x40]  }
0x1b: {  	v5 =	vld [tilespmem:$0x50];
	v0 =	vshrl.u32 v0, $0x1  }
0x1c: {  	[tilespmem:$0x1000] =	vst v0;
	v0 =	vshrl.u32 v1, $0x1;
	v1 =	vld [tilespmem:$0x60]  }
0x1d: {  	[tilespmem:$0x1010] =	vst v0;
	v0 =	vshrl.u32 v2, $0x1;
	v2 =	vld [tilespmem:$0x70]  }
0x1e: {  	[tilespmem:$0x1020] =	vst v0;
	v0 =	vshrl.u32 v3, $0x1  }
0x1f: {  	[tilespmem:$0x1030] =	vst v0;
	v0 =	vshrl.u32 v4, $0x1  }
0x20: {  	[tilespmem:$0x1040] =	vst v0;
	v0 =	vshrl.u32 v5, $0x1  }
0x21: {  	[tilespmem:$0x1050] =	vst v0;
	v0 =	vshrl.u32 v1, $0x1  }
0x22: {  	[tilespmem:$0x1060] =	vst v0;
	v0 =	vshrl.u32 v2, $0x1  }
0x23: {  	s13 =	simm.s32 $0x1000;
	[tilespmem:$0x1070] =	vst v0  }
0x24: {  	[tilespmem:s19], [sflag:$0x1] =	stream.indirect.gather [hbm4b:s3+s17], $0x80, s13, s17, $0xb8;
	[tilespmem:$0x11200] =	vst v63  }
0x25: {  	v0 =	vld [tilespmem:$0x80]  }
0x26: {  	v1 =	vld [tilespmem:$0x90]  }
0x27: {  	v2 =	vld [tilespmem:$0xA0]  }
0x28: {  	v3 =	vld [tilespmem:$0xB0]  }
0x29: {  	v58 =	vld [tilespmem:$0xC0]  }
0x2a: {  	v59 =	vld [tilespmem:$0xD0];
	v0 =	vshrl.u32 v0, $0x1  }
0x2b: {  	[tilespmem:$0x1080] =	vst v0;
	v0 =	vshrl.u32 v1, $0x1;
	v1 =	vld [tilespmem:$0xE0]  }
0x2c: {  	[tilespmem:$0x1090] =	vst v0;
	v0 =	vshrl.u32 v2, $0x1;
	v2 =	vld [tilespmem:$0xF0]  }
0x2d: {  	[tilespmem:$0x10A0] =	vst v0;
	v0 =	vshrl.u32 v3, $0x1  }
0x2e: {  	[tilespmem:$0x10B0] =	vst v0;
	v0 =	vshrl.u32 v58, $0x1  }
0x2f: {  	[tilespmem:$0x10C0] =	vst v0;
	v0 =	vshrl.u32 v59, $0x1  }
0x30: {  	[tilespmem:$0x10D0] =	vst v0;
	v0 =	vshrl.u32 v1, $0x1  }
0x31: {  	[tilespmem:$0x10E0] =	vst v0;
	v0 =	vshrl.u32 v2, $0x1  }
0x32: {  	s15 =	simm.s32 $0x1080;
	s18 =	simm.s32 $0x5200;
	[tilespmem:$0x10F0] =	vst v0  }
0x33: {  	[tilespmem:s18], [sflag:$0x1] =	stream.indirect.gather [hbm4b:s6+s17], $0x80, s15, s17, $0xb8;
	[tilespmem:$0x11200] =	vst v63  }
0x34: {  	v0 =	vld [tilespmem:$0x100]  }
0x35: {  	v1 =	vld [tilespmem:$0x110]  }
0x36: {  	v2 =	vld [tilespmem:$0x120]  }
0x37: {  	v3 =	vld [tilespmem:$0x130]  }
0x38: {  	v60 =	vld [tilespmem:$0x140]  }
0x39: {  	v61 =	vld [tilespmem:$0x150];
	v0 =	vshrl.u32 v0, $0x1  }
0x3a: {  	[tilespmem:$0x1100] =	vst v0;
	v0 =	vshrl.u32 v1, $0x1;
	v1 =	vld [tilespmem:$0x160]  }
0x3b: {  	[tilespmem:$0x1110] =	vst v0;
	v0 =	vshrl.u32 v2, $0x1;
	v2 =	vld [tilespmem:$0x170]  }
0x3c: {  	[tilespmem:$0x1120] =	vst v0;
	v0 =	vshrl.u32 v3, $0x1  }
0x3d: {  	[tilespmem:$0x1130] =	vst v0;
	v0 =	vshrl.u32 v60, $0x1  }
0x3e: {  	[tilespmem:$0x1140] =	vst v0;
	v0 =	vshrl.u32 v61, $0x1  }
0x3f: {  	[tilespmem:$0x1150] =	vst v0;
	v0 =	vshrl.u32 v1, $0x1  }
0x40: {  	[tilespmem:$0x1160] =	vst v0;
	v0 =	vshrl.u32 v2, $0x1  }
0x41: {  	s20 =	simm.s32 $0x1100;
	[tilespmem:$0x1170] =	vst v0  }
0x42: {  	[tilespmem:s23], [sflag:$0x1] =	stream.indirect.gather [hbm4b:s7+s17], $0x80, s20, s17, $0xb8;
	[tilespmem:$0x11200] =	vst v63  }
0x43: {  	_ =	swait.ge [sflag:s24], $0x4000  }
0x44: {  	[sflag:s24] =	ssyncset.done $0x0  }
0x45: {  	[sflag:s24] =	ssyncadd.s32 $0xFFFFC000  }
0x46: {  	[hbm4b:s8+s2] =	stream.linear.scatter [tilespmem:s19], [sflag:$0x2], $0x4000, $0x38;
	[tilespmem:$0x11200] =	vst v63  }
0x47: {  	v0 =	vld [tilespmem:$0x180]  }
0x48: {  	v1 =	vld [tilespmem:$0x190]  }
0x49: {  	v2 =	vld [tilespmem:$0x1A0]  }
0x4a: {  	v3 =	vld [tilespmem:$0x1B0]  }
0x4b: {  	v62 =	vld [tilespmem:$0x1C0]  }
0x4c: {  	v63 =	vld [tilespmem:$0x1D0];
	v0 =	vshrl.u32 v0, $0x1  }
0x4d: {  	[tilespmem:$0x1180] =	vst v0;
	v0 =	vshrl.u32 v1, $0x1;
	v1 =	vld [tilespmem:$0x1E0]  }
0x4e: {  	[tilespmem:$0x1190] =	vst v0;
	v0 =	vshrl.u32 v2, $0x1;
	v2 =	vld [tilespmem:$0x1F0]  }
0x4f: {  	[tilespmem:$0x11A0] =	vst v0;
	v0 =	vshrl.u32 v3, $0x1  }
0x50: {  	[tilespmem:$0x11B0] =	vst v0;
	v0 =	vshrl.u32 v62, $0x1  }
0x51: {  	[tilespmem:$0x11C0] =	vst v0;
	v0 =	vshrl.u32 v63, $0x1  }
0x52: {  	[tilespmem:$0x11D0] =	vst v0;
	v0 =	vshrl.u32 v1, $0x1  }
0x53: {  	[tilespmem:$0x11E0] =	vst v0;
	v0 =	vshrl.u32 v2, $0x1  }
0x54: {  	[tilespmem:$0x11F0] =	vst v0  }
0x55: {  	[tilespmem:s26], [sflag:$0x1] =	stream.indirect.gather [hbm4b:s10+s17], $0x80, s25, s17, $0xb8;
	[tilespmem:$0x11200] =	vst v63  }
0x56: {  	s22 =	simm.s32 $0x4000;
	_ =	swait.ge [sflag:s24], $0x4000  }
0x57: {  	p0 =	por $0x0, $0x0;
	s0 =	sand.u32 $0xC000, s22;
	[sflag:s24] =	ssyncset.done $0x0  }
0x58: {  	s1 =	simm.s32 @!p0 $0x2;
	s0 =	sor.u32 $0x1200, s0;
	[sflag:s24] =	ssyncadd.s32 $0xFFFFC000  }
0x59: {  	[hbm4b:s14+s2] =	stream.linear.scatter [tilespmem:s0], [sflag:$0x2], $0x4000, $0x38;
	[tilespmem:$0x11200] =	vst v63  }
0x5a: {  	_ =	swait.ge @!p0 [sflag:s1], $0x4000  }
0x5b: {  	[sflag:s1] =	ssyncset.done @!p0 $0x0  }
0x5c: {  	s0 =	simm.s32 $0x270;
	[sflag:s1] =	ssyncadd.s32 @!p0 $0xFFFFC000  }
0x5d: {  	v0 =	vld @!p0 [tilespmem:s0+$0xFFFFFF90];
	_ =	sdelay $0x3  }
0x5e: {  	s1 =	simm.s32 $0x200  }
0x5f: {  	s15 =	sand.u32 @!p0 $0x180, s1;
	v0 =	vshrl.u32 @!p0 v0, $0x1  }
0x60: {  	[tilespmem:s15+$0x1000] =	vst @!p0 v0  }
0x61: {  	v0 =	vld @!p0 [tilespmem:s0+$0xFFFFFFA0];
	_ =	sdelay $0x4  }
0x62: {  	v0 =	vshrl.u32 @!p0 v0, $0x1  }
0x63: {  	[tilespmem:s15+$0x1010] =	vst @!p0 v0  }
0x64: {  	v0 =	vld @!p0 [tilespmem:s0+$0xFFFFFFB0];
	_ =	sdelay $0x4  }
0x65: {  	v0 =	vshrl.u32 @!p0 v0, $0x1  }
0x66: {  	[tilespmem:s15+$0x1020] =	vst @!p0 v0  }
0x67: {  	v0 =	vld @!p0 [tilespmem:s0+$0xFFFFFFC0];
	_ =	sdelay $0x4  }
0x68: {  	v0 =	vshrl.u32 @!p0 v0, $0x1  }
0x69: {  	[tilespmem:s15+$0x1030] =	vst @!p0 v0  }
0x6a: {  	v0 =	vld @!p0 [tilespmem:s0+$0xFFFFFFD0];
	_ =	sdelay $0x4  }
0x6b: {  	v0 =	vshrl.u32 @!p0 v0, $0x1  }
0x6c: {  	[tilespmem:s15+$0x1040] =	vst @!p0 v0  }
0x6d: {  	v0 =	vld @!p0 [tilespmem:s0+$0xFFFFFFE0];
	_ =	sdelay $0x4  }
0x6e: {  	v0 =	vshrl.u32 @!p0 v0, $0x1  }
0x6f: {  	[tilespmem:s15+$0x1050] =	vst @!p0 v0  }
0x70: {  	v0 =	vld @!p0 [tilespmem:s0+$0xFFFFFFF0];
	_ =	sdelay $0x4  }
0x71: {  	v0 =	vshrl.u32 @!p0 v0, $0x1  }
0x72: {  	[tilespmem:s15+$0x1060] =	vst @!p0 v0  }
0x73: {  	v0 =	vld @!p0 [tilespmem:s0+$0x0]  }
0x74: {  	s30 =	simm.s32 $0x5;
	s0 =	simm.s32 $0x4  }
0x75: {  	s31 =	simm.s32 $0x2F0;
	s11 =	smov.u32 s21;
	s0 =	sand.u32 @!p0 $0x3, s0  }
0x76: {  	s22 =	simm.s32 @!p0 $0x80;
	s12 =	smov.u32 s14;
	s1 =	sshll.u32 @!p0 s0, $0x7  }
0x77: {  	s13 =	smov.u32 s21;
	s0 =	sshll.u32 @!p0 s0, $0xE;
	s18 =	sor.u32 @!p0 $0x1000, s1  }
0x78: {  	s20 =	sor.u32 @!p0 $0x1200, s0;
	s0 =	simm.s32 $0x8000;
	s1 =	simm.s32 $0x280;
	v0 =	vshrl.u32 @!p0 v0, $0x1  }
.LBB2_2:
0x79: {  	s11 =	sadd.s32 $0xC3800, s11  }
0x7a: {  	[tilespmem:s15+$0x1070] =	vst @!p0 v0;
	s12 =	sadd.s32 $0x10000, s12;
	s15 =	smov.u32 s30;
	s30 =	sadd.s32 $0x1, s30  }
0x7b: {  	[tilespmem:s20], [sflag:$0x1] =	stream.indirect.gather @!p0 [hbm4b:s13+s22], $0x80, s18, s22, $0xb8;
	[tilespmem:$0x11200] =	vst v63  }
0x7c: {  	s13 =	sadd.s32 $0xFFFFFFFD, s15;
	s18 =	sand.u32 $0xC000, s0;
	_ =	swait.ge [sflag:s24], $0x4000  }
0x7d: {  	s18 =	sor.u32 $0x1200, s18;
	p0 =	sgt.u32 s13, $0x16;
	[sflag:s24] =	ssyncset.done $0x0  }
0x7e: {  	s13 =	simm.s32 @!p0 $0x2;
	s15 =	sand.u32 @!p0 $0x3, s15;
	[sflag:s24] =	ssyncadd.s32 $0xFFFFC000  }
0x7f: {  	[hbm4b:s12+s2] =	stream.linear.scatter [tilespmem:s18], [sflag:$0x2], $0x4000, $0x38;
	[tilespmem:$0x11200] =	vst v63  }
0x80: {  	s18 =	sshll.u32 @!p0 s15, $0x7;
	s15 =	sshll.u32 @!p0 s15, $0xE;
	_ =	swait.ge @!p0 [sflag:s13], $0x4000  }
0x81: {  	s18 =	sor.u32 @!p0 $0x1000, s18;
	s20 =	sor.u32 @!p0 $0x1200, s15;
	[sflag:s13] =	ssyncset.done @!p0 $0x0  }
0x82: {  	p1 =	sne.s32 s30, $0x1D;
	[sflag:s13] =	ssyncadd.s32 @!p0 $0xFFFFC000;
	s13 =	smov.u32 s11  }
0x83: {  	v0 =	vld @!p0 [tilespmem:s31+$0xFFFFFF90];
	_ =	sdelay $0x3  }
0x84: {  	s15 =	sand.u32 @!p0 $0x180, s1  }
0x85: {  	v0 =	vshrl.u32 @!p0 v0, $0x1  }
0x86: {  	[tilespmem:s15+$0x1000] =	vst @!p0 v0  }
0x87: {  	v0 =	vld @!p0 [tilespmem:s31+$0xFFFFFFA0];
	_ =	sdelay $0x4  }
0x88: {  	v0 =	vshrl.u32 @!p0 v0, $0x1  }
0x89: {  	[tilespmem:s15+$0x1010] =	vst @!p0 v0  }
0x8a: {  	v0 =	vld @!p0 [tilespmem:s31+$0xFFFFFFB0];
	_ =	sdelay $0x4  }
0x8b: {  	v0 =	vshrl.u32 @!p0 v0, $0x1  }
0x8c: {  	[tilespmem:s15+$0x1020] =	vst @!p0 v0  }
0x8d: {  	v0 =	vld @!p0 [tilespmem:s31+$0xFFFFFFC0];
	_ =	sdelay $0x4  }
0x8e: {  	v0 =	vshrl.u32 @!p0 v0, $0x1  }
0x8f: {  	[tilespmem:s15+$0x1030] =	vst @!p0 v0  }
0x90: {  	v0 =	vld @!p0 [tilespmem:s31+$0xFFFFFFD0];
	_ =	sdelay $0x4  }
0x91: {  	v0 =	vshrl.u32 @!p0 v0, $0x1  }
0x92: {  	[tilespmem:s15+$0x1040] =	vst @!p0 v0  }
0x93: {  	v0 =	vld @!p0 [tilespmem:s31+$0xFFFFFFE0];
	_ =	sdelay $0x4  }
0x94: {  	v0 =	vshrl.u32 @!p0 v0, $0x1  }
0x95: {  	[tilespmem:s15+$0x1050] =	vst @!p0 v0  }
0x96: {  	v0 =	vld @!p0 [tilespmem:s31+$0xFFFFFFF0];
	_ =	sdelay $0x4  }
0x97: {  	v0 =	vshrl.u32 @!p0 v0, $0x1  }
0x98: {  	[tilespmem:s15+$0x1060] =	vst @!p0 v0  }
0x99: {  	v0 =	vld @!p0 [tilespmem:s31+$0x0]  }
.Ltmp0:
0x9a: {  	(pc) =	sbr.rel @p1 .LBB2_2-.Ltmp0, $3  }
0x9b: {  	_ =	sdelay $0x1  }
0x9c: {  	s31 =	sadd.s32 $0x80, s31  }
0x9d: {  	s0 =	sadd.s32 $0x4000, s0;
	s22 =	simm.s32 @!p0 $0x80;
	s1 =	sadd.s32 $0x80, s1;
	v0 =	vshrl.u32 @!p0 v0, $0x1  }
0x9e: {  	[tilespmem:s15+$0x1070] =	vst @!p0 v0  }
0x9f: {  	[tilespmem:s20], [sflag:$0x1] =	stream.indirect.gather @!p0 [hbm4b:s13+s22], $0x80, s18, s22, $0xb8;
	[tilespmem:$0x11200] =	vst v63  }
0xa0: {  	_ =	swait.ge [sflag:s28], $0x4000  }
0xa1: {  	[sflag:s28] =	ssyncset.done $0x0  }
0xa2: {  	[sflag:s28] =	ssyncadd.s32 $0xFFFFC000  }
0xa3: {  	_ =	swait.ge [sflag:s28], $0x4000  }
0xa4: {  	[sflag:s28] =	ssyncset.done $0x0  }
0xa5: {  	s29 =	sadd.s32 $0x1, s29;
	[sflag:s28] =	ssyncadd.s32 $0xFFFFC000  }
0xa6: {  	p0 =	sne.s32 s29, s9;
	_ =	swait.ge [sflag:s28], $0x4000  }
.Ltmp1:
0xa7: {  	[sflag:s28] =	ssyncset.done $0x0;
	(pc) =	sbr.rel @p0 .LBB2_1-.Ltmp1, $4  }
0xa8: {  	[sflag:s28] =	ssyncadd.s32 $0xFFFFC000  }
0xa9: {  	_ =	swait.ge [sflag:s28], $0x4000  }
0xaa: {  	[sflag:s28] =	ssyncset.done $0x0  }
0xab: {  	[sflag:s28] =	ssyncadd.s32 $0xFFFFC000  }
0xac: {  	_ =	sfence.sel $0x180000  }
0xad: {  	[bflag:$0x0] =	sbarrier.arrive $0xFFFF  }
0xae: {  	_ =	strace $0x90000047  }
0xaf: {  	s0 =	stileid.u32;
	[bflag:$0x2] =	sbarrier.arrive $0xFFFF  }
0xb0: {  	p0 =	sne.s32 s0, $0x0;
	s0 =	rddreg [dreg:$0x2]  }
0xb1: {  	s0 =	sadd.s32 @!p0 $0x100000, s0  }
0xb2: {  	[sflag:s0] =	ssyncadd.tile.s32 @!p0 $0x1;
	_ =	shalt  }
.Lfunc_end2:
_tile_overlayer_lowered:
.L_overlay_start_2:
0xb3: {  	(tag) =	ssettag $0x2  }
0xb4: {  	s0 =	rddreg [dreg:$0x0];
	s2 =	stileid.u32  }
0xb5: {  	s1 =	rddreg [dreg:$0x1];
	p0 =	sne.s32 s2, $0x0  }
0xb6: {  	s3 =	rddreg [dreg:$0x2];
	[bflag:$0x3] =	sbarrier.arrive $0xFFFF;
	s2 =	simm.s32 @!p0 $0x1C03  }
0xb7: {  	[timem:s3], [sflag:s2] =	dma.local @!p0 [hbm:s0], s1  }
0xb8: {  	s0 =	simm.s32 @!p0 $0x3  }
0xb9: {  	_ =	swait.ge @!p0 [sflag:s0], s1  }
0xba: {  	s1 =	ssub.s32 @!p0 $0x0, s1;
	[sflag:s0] =	ssyncset.done @!p0 $0x0  }
0xbb: {  	[sflag:s0] =	ssyncadd.s32 @!p0 s1  }
0xbc: {  	[bflag:$0x3] =	sbarrier.arrive $0xFFFF  }
0xbd: {  	_ =	shalt  }

</sc_bundles>
